<compile_context>
chip_gen: v7x
topology: tpu7x:2x2x1
jax: 0.10.2.dev20260603
libtpu: 0.0.44.dev20260713+nightly
codegen_flags: <defaults>
</compile_context>

<pallas_src>
import functools

import jax
import jax.numpy as jnp
from jax import lax
from jax.experimental import pallas as pl
from jax.experimental.pallas import tpu as pltpu
from jax.experimental.pallas import tpu_sc as plsc

_NC = 2
_NS = 16
_K = 128
_KB = 1
_LAYERS = 3


def _row_block(n):
    for r in range(1024, 7, -8):
        if n % r == 0:
            return r
    return None



def _mm_split_body(x_ref, w_ref, o0_ref, o1_ref):
    res = jnp.dot(x_ref[...], w_ref[...], preferred_element_type=jnp.float32)
    fh = res.shape[1] // 2
    o0_ref[...] = res[:, :fh]
    o1_ref[...] = res[:, fh:]


def _matmul_split(x, w):
    n, f = x.shape
    f2 = w.shape[1]
    fh = f2 // 2
    r = _row_block(n)
    return pl.pallas_call(
        _mm_split_body,
        grid=(n // r,),
        in_specs=[pl.BlockSpec((r, f), lambda i: (i, 0)),
                  pl.BlockSpec((f, f2), lambda i: (0, 0))],
        out_specs=[pl.BlockSpec((r, fh), lambda i: (i, 0)),
                   pl.BlockSpec((r, fh), lambda i: (i, 0))],
        out_shape=[jax.ShapeDtypeStruct((n, fh), jnp.float32),
                   jax.ShapeDtypeStruct((n, fh), jnp.float32)],
    )(x, w)


def _gru_math(p_ref, h_ref, wih_ref, whh_ref, bih_ref, bhh_ref):
    agg = jnp.concatenate([p_ref[0], p_ref[1]], axis=-1)
    h = h_ref[...]
    f = h.shape[1]
    gi = jnp.dot(agg, wih_ref[...], preferred_element_type=jnp.float32)
    gi = gi + bih_ref[...]
    gh = jnp.dot(h, whh_ref[...], preferred_element_type=jnp.float32)
    gh = gh + bhh_ref[...]
    r = jax.nn.sigmoid(gi[:, :f] + gh[:, :f])
    z = jax.nn.sigmoid(gi[:, f:2 * f] + gh[:, f:2 * f])
    nn = jnp.tanh(gi[:, 2 * f:] + r * gh[:, 2 * f:])
    return (1.0 - z) * nn + z * h


def _gru_body(p_ref, h_ref, wih_ref, whh_ref, bih_ref, bhh_ref, ho_ref):
    ho_ref[...] = _gru_math(p_ref, h_ref, wih_ref, whh_ref, bih_ref, bhh_ref)


def _gru_m_body(p_ref, h_ref, wih_ref, whh_ref, bih_ref, bhh_ref, wfc_ref,
                ho_ref, mo0_ref, mo1_ref):
    hn = _gru_math(p_ref, h_ref, wih_ref, whh_ref, bih_ref, bhh_ref)
    ho_ref[...] = hn
    m = jnp.dot(hn, wfc_ref[...], preferred_element_type=jnp.float32)
    fh = m.shape[1] // 2
    mo0_ref[...] = m[:, :fh]
    mo1_ref[...] = m[:, fh:]


def _gru(parts, h, wih_t, whh_t, bih, bhh, wfc_t):
    n, f = h.shape
    fh = f // 2
    r = _row_block(n)
    g = n // r
    in_specs = [
        pl.BlockSpec((_NC, r, fh), lambda i: (0, i, 0)),
        pl.BlockSpec((r, f), lambda i: (i, 0)),
        pl.BlockSpec((f, 3 * f), lambda i: (0, 0)),
        pl.BlockSpec((f, 3 * f), lambda i: (0, 0)),
        pl.BlockSpec((1, 3 * f), lambda i: (0, 0)),
        pl.BlockSpec((1, 3 * f), lambda i: (0, 0)),
    ]
    args = [parts, h, wih_t, whh_t, bih, bhh]
    if wfc_t is None:
        return pl.pallas_call(
            _gru_body,
            grid=(g,),
            in_specs=in_specs,
            out_specs=pl.BlockSpec((r, f), lambda i: (i, 0)),
            out_shape=jax.ShapeDtypeStruct((n, f), jnp.float32),
        )(*args)
    in_specs.append(pl.BlockSpec((f, f), lambda i: (0, 0)))
    args.append(wfc_t)
    return pl.pallas_call(
        _gru_m_body,
        grid=(g,),
        in_specs=in_specs,
        out_specs=[pl.BlockSpec((r, f), lambda i: (i, 0)),
                   pl.BlockSpec((r, fh), lambda i: (i, 0)),
                   pl.BlockSpec((r, fh), lambda i: (i, 0))],
        out_shape=[jax.ShapeDtypeStruct((n, f), jnp.float32),
                   jax.ShapeDtypeStruct((n, fh), jnp.float32),
                   jax.ShapeDtypeStruct((n, fh), jnp.float32)],
    )(*args)



@functools.cache
def _sc_agg(n_acc, nch, fh):
    mesh = plsc.VectorSubcoreMesh(core_axis_name="c", subcore_axis_name="s",
                                  num_cores=_NC, num_subcores=_NS)
    rows_per_tile = n_acc // _NS
    nzch = rows_per_tile // _K

    @functools.partial(
        pl.kernel,
        mesh=mesh,
        compiler_params=pltpu.CompilerParams(use_tc_tiling_on_sc=False),
        out_type=jax.ShapeDtypeStruct((_NC, n_acc, fh), jnp.float32),
        scratch_types=[
            pltpu.VMEM((nch, _KB * _K), jnp.int32),
            pltpu.VMEM((nch, _KB * _K), jnp.int32),
            pltpu.VMEM((_KB * _K, fh), jnp.float32),
            pltpu.VMEM((_KB * _K, fh), jnp.float32),
            pltpu.VMEM((_K, fh), jnp.float32),
            pltpu.VMEM_SHARED((n_acc, fh), jnp.float32),
            pltpu.SemaphoreType.DMA,
            pltpu.SemaphoreType.DMA,
            pltpu.SemaphoreType.DMA,
            pltpu.SemaphoreType.DMA,
        ],
    )
    def k(m0_hbm, m1_hbm, src_hbm, dst_hbm, z_hbm, out_hbm,
          src_v, dst_v, rows0_v, rows1_v, stage_v, acc_sh,
          sem0, sem1, isem0, isem1):
        c = lax.axis_index("c")
        s = lax.axis_index("s")
        base = s * rows_per_tile

        pltpu.async_copy(src_hbm.at[s], src_v, isem0)
        pltpu.async_copy(dst_hbm.at[s], dst_v, isem1)
        pltpu.sync_copy(z_hbm, stage_v)
        pltpu.make_async_copy(src_hbm.at[s], src_v, isem0).wait()
        pltpu.make_async_copy(dst_hbm.at[s], dst_v, isem1).wait()

        def gstart(j, buf, sem):
            @pl.when(c == 0)
            def _():
                pltpu.async_copy(m0_hbm.at[src_v.at[j]], buf, sem)

            @pl.when(c == 1)
            def _():
                pltpu.async_copy(m1_hbm.at[src_v.at[j]], buf, sem)

        def gwait(buf, sem):
            pltpu.make_async_copy(m0_hbm.at[src_v.at[0]], buf, sem).wait()

        gstart(0, rows0_v, sem0)

        def zfire(i, carry):
            pltpu.async_copy(stage_v, acc_sh.at[pl.ds(base + i * _K, _K)],
                             isem0)
            return carry
        lax.fori_loop(0, nzch, zfire, 0)

        def zdrain(i, carry):
            pltpu.make_async_copy(stage_v, acc_sh.at[pl.ds(base, _K)],
                                  isem0).wait()
            return carry
        lax.fori_loop(0, nzch, zdrain, 0)
        plsc.subcore_barrier()


        def pair(p, carry):
            a = 2 * p
            gstart(a + 1, rows1_v, sem1)
            gwait(rows0_v, sem0)
            pltpu.sync_copy(rows0_v, acc_sh.at[dst_v.at[a]], add=True)

            @pl.when(a + 2 < nch)
            def _():
                gstart(a + 2, rows0_v, sem0)

            gwait(rows1_v, sem1)
            pltpu.sync_copy(rows1_v, acc_sh.at[dst_v.at[a + 1]], add=True)
            return carry
        lax.fori_loop(0, nch // 2, pair, 0)
        plsc.subcore_barrier()

        def ofire(i, carry):
            pltpu.async_copy(acc_sh.at[pl.ds(base + i * _K, _K)],
                             out_hbm.at[c].at[pl.ds(base + i * _K, _K)],
                             sem0)
            return carry
        lax.fori_loop(0, nzch, ofire, 0)

        def odrain(i, carry):
            pltpu.make_async_copy(acc_sh.at[pl.ds(base, _K)],
                                  out_hbm.at[c].at[pl.ds(base, _K)],
                                  sem0).wait()
            return carry
        lax.fori_loop(0, nzch, odrain, 0)

    return k



def kernel(feat, edge_index, W_fc, W_ih, W_hh, b_ih, b_hh):
    n, f_in = feat.shape
    f = W_fc.shape[0]
    h = feat if f_in == f else jnp.pad(feat, ((0, 0), (0, f - f_in)))
    wfc_t = W_fc.T
    wih_t = W_ih.T
    whh_t = W_hh.T
    bih = b_ih.reshape(1, -1)
    bhh = b_hh.reshape(1, -1)

    src = edge_index[0].astype(jnp.int32)
    dst = edge_index[1].astype(jnp.int32)
    e = src.shape[0]
    blk = _KB * _K
    per_s = -(-e // (_NS * 2 * blk)) * 2 * blk
    nch = per_s // blk
    pad = _NS * per_s - e
    src_r = jnp.concatenate([src, jnp.zeros((pad,), jnp.int32)])
    dst_r = jnp.concatenate([dst, jnp.full((pad,), n, jnp.int32)])
    src_r = src_r.reshape(_NS, nch, _KB * _K)
    dst_r = dst_r.reshape(_NS, nch, _KB * _K)
    n_acc = -(-(n + 1) // (_NS * _K)) * (_NS * _K)
    zeros = jnp.zeros((_K, f // 2), jnp.float32)

    sc = _sc_agg(n_acc, nch, f // 2)

    m0, m1 = _matmul_split(h, wfc_t)
    for layer in range(_LAYERS):
        parts = sc(m0, m1, src_r, dst_r, zeros)
        if layer == _LAYERS - 1:
            h = _gru(parts, h, wih_t, whh_t, bih, bhh, None)
        else:
            h, m0, m1 = _gru(parts, h, wih_t, whh_t, bih, bhh, wfc_t)
    return h

# --- scband reference (transcript-rebuilt; emitter-appended) ---
"""Pipeline reference for scband-gated-graph-conv-59528246723310 (READ-ONLY COPY).

The authoritative reference and input builder live on the scoring server;
editing this copy changes nothing except your own understanding.
"""

import jax, jax.numpy as jnp
import numpy as np

IN_FEATS = 128
OUT_FEATS = 128
N_LAYERS = 3
N_NODES = 10000
N_EDGES = 320000


def gru_cell(x, h, W_ih, W_hh, b_ih, b_hh):
    # torch.nn.GRUCell semantics
    gi = x @ W_ih.T + b_ih
    gh = h @ W_hh.T + b_hh
    i_r, i_z, i_n = jnp.split(gi, 3, axis=-1)
    h_r, h_z, h_n = jnp.split(gh, 3, axis=-1)
    r = jax.nn.sigmoid(i_r + h_r)
    z = jax.nn.sigmoid(i_z + h_z)
    n = jnp.tanh(i_n + r * h_n)
    return (1.0 - z) * n + z * h


def setup_inputs(seed: int = 0) -> dict:
    key = jax.random.key(seed)
    k1, k2, k3, k4, k5, k6, k7 = jax.random.split(key, 7)
    feat = jax.random.normal(k1, (N_NODES, IN_FEATS), dtype=jnp.float32)
    edge_index = jax.random.randint(k2, (2, N_EDGES), 0, N_NODES, dtype=jnp.int64)
    s = 1.0 / np.sqrt(OUT_FEATS)
    W_fc = jax.random.uniform(k3, (OUT_FEATS, OUT_FEATS), dtype=jnp.float32, minval=-s, maxval=s)
    W_ih = jax.random.uniform(k4, (3 * OUT_FEATS, OUT_FEATS), dtype=jnp.float32, minval=-s, maxval=s)
    W_hh = jax.random.uniform(k5, (3 * OUT_FEATS, OUT_FEATS), dtype=jnp.float32, minval=-s, maxval=s)
    b_ih = jax.random.uniform(k6, (3 * OUT_FEATS,), dtype=jnp.float32, minval=-s, maxval=s)
    b_hh = jax.random.uniform(k7, (3 * OUT_FEATS,), dtype=jnp.float32, minval=-s, maxval=s)
    return {"feat": feat, "edge_index": edge_index, "W_fc": W_fc,
            "W_ih": W_ih, "W_hh": W_hh, "b_ih": b_ih, "b_hh": b_hh}


def reference(feat, edge_index, W_fc, W_ih, W_hh, b_ih, b_hh):
    # zero-pad feat up to out_feats (width 0 here since in_feats == out_feats)
    n = feat.shape[0]
    zero_pad = jnp.zeros((n, OUT_FEATS - feat.shape[1]), dtype=feat.dtype)
    h = jnp.concatenate([feat, zero_pad], axis=-1)
    src = edge_index[0]
    dst = edge_index[1]
    for _ in range(N_LAYERS):
        m = h @ W_fc.T                      # per-node message transform
        gathered = jnp.take(m, src, axis=0)  # gather on src nodes
        agg = jax.ops.segment_sum(gathered, dst, num_segments=n)  # sum aggregator
        h = gru_cell(agg, h, W_ih, W_hh, b_ih, b_hh)
    return h

if __name__ == "__main__":
    import jax
    _d = setup_inputs()
    print(jax.jit(kernel)(*tuple(_d.values())))

</pallas_src>

<mosaic_0001>
#map = affine_map<(d0, d1) -> (0, 0)>
#map1 = affine_map<(d0, d1) -> (0, 0, 0)>
module attributes {stable_mosaic.version = 14 : i64} {
  func.func @k(%arg0: i32, %arg1: i32, %arg2: memref<10000x64xf32, #tpu.memory_space<hbm>>, %arg3: memref<10000x64xf32, #tpu.memory_space<hbm>>, %arg4: memref<16x158x128xi32, #tpu.memory_space<hbm>>, %arg5: memref<16x158x128xi32, #tpu.memory_space<hbm>>, %arg6: memref<128x64xf32, #tpu.memory_space<hbm>>, %arg7: memref<2x10240x64xf32, #tpu.memory_space<hbm>>, %arg8: memref<158x128xi32, #tpu.memory_space<vmem>>, %arg9: memref<158x128xi32, #tpu.memory_space<vmem>>, %arg10: memref<128x64xf32, #tpu.memory_space<vmem>>, %arg11: memref<128x64xf32, #tpu.memory_space<vmem>>, %arg12: memref<128x64xf32, #tpu.memory_space<vmem>>, %arg13: memref<10240x64xf32, #tpu.memory_space<vmem_shared>>, %arg14: memref<!tpu.dma_semaphore, #tpu.memory_space<semaphore_mem>>, %arg15: memref<!tpu.dma_semaphore, #tpu.memory_space<semaphore_mem>>, %arg16: memref<!tpu.dma_semaphore, #tpu.memory_space<semaphore_mem>>, %arg17: memref<!tpu.dma_semaphore, #tpu.memory_space<semaphore_mem>>) attributes {dimension_semantics = [#tpu.dimension_semantics<core_parallel>, #tpu.dimension_semantics<subcore_parallel>], iteration_bounds = array<i64: 2, 16>, scalar_prefetch = 0 : i64, scratch_operands = 10 : i64, tpu.core_type = #tpu.core_type<sc_vector_subcore>, window_params = [{transform_indices = #map}, {transform_indices = #map}, {transform_indices = #map1}, {transform_indices = #map1}, {transform_indices = #map}, {transform_indices = #map1}]} {
    %mul3A = arith.constant 640 : i32
    %mul3A_0 = arith.muli %arg1, %mul3A : i32
    %dma_start3A = arith.constant 0 : i32
    %dma_start3A_1 = arith.constant 0 : i32
    %dma_start3A_2 = tpu.memref_slice %arg4[%arg1, %dma_start3A, %dma_start3A_1] : memref<16x158x128xi32, #tpu.memory_space<hbm>> -> memref<1x158x128xi32, #tpu.memory_space<hbm>>
    %dma_start3A_3 = tpu.memref_squeeze %dma_start3A_2 : memref<1x158x128xi32, #tpu.memory_space<hbm>> -> memref<158x128xi32, #tpu.memory_space<hbm>>
    %dma_start3A_4 = arith.constant 0 : i32
    %dma_start3A_5 = arith.constant 0 : i32
    %dma_start3A_6 = tpu.memref_slice %arg4[%arg1, %dma_start3A_4, %dma_start3A_5] : memref<16x158x128xi32, #tpu.memory_space<hbm>> -> memref<1x158x128xi32, #tpu.memory_space<hbm>>
    %dma_start3A_7 = tpu.memref_squeeze %dma_start3A_6 : memref<1x158x128xi32, #tpu.memory_space<hbm>> -> memref<158x128xi32, #tpu.memory_space<hbm>>
    tpu.enqueue_dma source(%dma_start3A_7 : memref<158x128xi32, #tpu.memory_space<hbm>>) target(%arg8 : memref<158x128xi32, #tpu.memory_space<vmem>>) target_semaphore(%arg16 : memref<!tpu.dma_semaphore, #tpu.memory_space<semaphore_mem>>)
    %dma_start3A_8 = arith.constant 0 : i32
    %dma_start3A_9 = arith.constant 0 : i32
    %dma_start3A_10 = tpu.memref_slice %arg5[%arg1, %dma_start3A_8, %dma_start3A_9] : memref<16x158x128xi32, #tpu.memory_space<hbm>> -> memref<1x158x128xi32, #tpu.memory_space<hbm>>
    %dma_start3A_11 = tpu.memref_squeeze %dma_start3A_10 : memref<1x158x128xi32, #tpu.memory_space<hbm>> -> memref<158x128xi32, #tpu.memory_space<hbm>>
    %dma_start3A_12 = arith.constant 0 : i32
    %dma_start3A_13 = arith.constant 0 : i32
    %dma_start3A_14 = tpu.memref_slice %arg5[%arg1, %dma_start3A_12, %dma_start3A_13] : memref<16x158x128xi32, #tpu.memory_space<hbm>> -> memref<1x158x128xi32, #tpu.memory_space<hbm>>
    %dma_start3A_15 = tpu.memref_squeeze %dma_start3A_14 : memref<1x158x128xi32, #tpu.memory_space<hbm>> -> memref<158x128xi32, #tpu.memory_space<hbm>>
    tpu.enqueue_dma source(%dma_start3A_15 : memref<158x128xi32, #tpu.memory_space<hbm>>) target(%arg9 : memref<158x128xi32, #tpu.memory_space<vmem>>) target_semaphore(%arg17 : memref<!tpu.dma_semaphore, #tpu.memory_space<semaphore_mem>>)
    "tpu.region"() ({
      %run_scoped3A = tpu.sem_alloc : memref<!tpu.dma_semaphore, #tpu.memory_space<semaphore_mem>>
      tpu.enqueue_dma source(%arg6 : memref<128x64xf32, #tpu.memory_space<hbm>>) target(%arg12 : memref<128x64xf32, #tpu.memory_space<vmem>>) target_semaphore(%run_scoped3A : memref<!tpu.dma_semaphore, #tpu.memory_space<semaphore_mem>>)
      tpu.wait_dma2 semaphore(%run_scoped3A : memref<!tpu.dma_semaphore, #tpu.memory_space<semaphore_mem>>) src(%arg6 : memref<128x64xf32, #tpu.memory_space<hbm>>) dst(%arg12 : memref<128x64xf32, #tpu.memory_space<vmem>>)
      tpu.yield
    }) : () -> ()
    %dma_wait3A = arith.constant 0 : i32
    %dma_wait3A_16 = arith.constant 0 : i32
    %dma_wait3A_17 = tpu.memref_slice %arg4[%arg1, %dma_wait3A, %dma_wait3A_16] : memref<16x158x128xi32, #tpu.memory_space<hbm>> -> memref<1x158x128xi32, #tpu.memory_space<hbm>>
    %dma_wait3A_18 = tpu.memref_squeeze %dma_wait3A_17 : memref<1x158x128xi32, #tpu.memory_space<hbm>> -> memref<158x128xi32, #tpu.memory_space<hbm>>
    %dma_wait3A_19 = arith.constant 0 : i32
    %dma_wait3A_20 = arith.constant 0 : i32
    %dma_wait3A_21 = tpu.memref_slice %arg4[%arg1, %dma_wait3A_19, %dma_wait3A_20] : memref<16x158x128xi32, #tpu.memory_space<hbm>> -> memref<1x158x128xi32, #tpu.memory_space<hbm>>
    %dma_wait3A_22 = tpu.memref_squeeze %dma_wait3A_21 : memref<1x158x128xi32, #tpu.memory_space<hbm>> -> memref<158x128xi32, #tpu.memory_space<hbm>>
    tpu.wait_dma2 semaphore(%arg16 : memref<!tpu.dma_semaphore, #tpu.memory_space<semaphore_mem>>) src(%dma_wait3A_22 : memref<158x128xi32, #tpu.memory_space<hbm>>) dst(%arg8 : memref<158x128xi32, #tpu.memory_space<vmem>>)
    %dma_wait3A_23 = arith.constant 0 : i32
    %dma_wait3A_24 = arith.constant 0 : i32
    %dma_wait3A_25 = tpu.memref_slice %arg5[%arg1, %dma_wait3A_23, %dma_wait3A_24] : memref<16x158x128xi32, #tpu.memory_space<hbm>> -> memref<1x158x128xi32, #tpu.memory_space<hbm>>
    %dma_wait3A_26 = tpu.memref_squeeze %dma_wait3A_25 : memref<1x158x128xi32, #tpu.memory_space<hbm>> -> memref<158x128xi32, #tpu.memory_space<hbm>>
    %dma_wait3A_27 = arith.constant 0 : i32
    %dma_wait3A_28 = arith.constant 0 : i32
    %dma_wait3A_29 = tpu.memref_slice %arg5[%arg1, %dma_wait3A_27, %dma_wait3A_28] : memref<16x158x128xi32, #tpu.memory_space<hbm>> -> memref<1x158x128xi32, #tpu.memory_space<hbm>>
    %dma_wait3A_30 = tpu.memref_squeeze %dma_wait3A_29 : memref<1x158x128xi32, #tpu.memory_space<hbm>> -> memref<158x128xi32, #tpu.memory_space<hbm>>
    tpu.wait_dma2 semaphore(%arg17 : memref<!tpu.dma_semaphore, #tpu.memory_space<semaphore_mem>>) src(%dma_wait3A_30 : memref<158x128xi32, #tpu.memory_space<hbm>>) dst(%arg9 : memref<158x128xi32, #tpu.memory_space<vmem>>)
    %eq3A = arith.constant 0 : i32
    %eq3A_31 = arith.cmpi eq, %arg0, %eq3A : i32
    %convert_element_type3A = arith.extui %eq3A_31 : i1 to i32
    %cond3A = arith.constant 0 : i32
    %cond3A_32 = arith.cmpi ne, %convert_element_type3A, %cond3A : i32
    scf.if %cond3A_32 {
      %dma_start3A_68 = arith.constant 0 : i32
      %dma_start3A_69 = arith.constant 0 : i32
      %dma_start3A_70 = tpu.memref_slice %arg8[%dma_start3A_68, %dma_start3A_69] : memref<158x128xi32, #tpu.memory_space<vmem>> -> memref<1x128xi32, #tpu.memory_space<vmem>>
      %dma_start3A_71 = tpu.memref_squeeze %dma_start3A_70 : memref<1x128xi32, #tpu.memory_space<vmem>> -> memref<128xi32, #tpu.memory_space<vmem>>
      %dma_start3A_72 = arith.constant 0 : i32
      %dma_start3A_73 = arith.constant 0 : i32
      %dma_start3A_74 = tpu.memref_slice %arg2[%dma_start3A_72, %dma_start3A_73] : memref<10000x64xf32, #tpu.memory_space<hbm>> -> memref<10000x64xf32, #tpu.memory_space<hbm>>
      tpu.enqueue_indirect_dma source(%dma_start3A_74 : memref<10000x64xf32, #tpu.memory_space<hbm>>) target(%arg10 : memref<128x64xf32, #tpu.memory_space<vmem>>) offsets(%dma_start3A_71 : memref<128xi32, #tpu.memory_space<vmem>>) semaphore(%arg14 : memref<!tpu.dma_semaphore, #tpu.memory_space<semaphore_mem>>)
    } else {
    }
    %eq3A_33 = arith.constant 1 : i32
    %eq3A_34 = arith.cmpi eq, %arg0, %eq3A_33 : i32
    %convert_element_type3A_35 = arith.extui %eq3A_34 : i1 to i32
    %cond3A_36 = arith.constant 0 : i32
    %cond3A_37 = arith.cmpi ne, %convert_element_type3A_35, %cond3A_36 : i32
    scf.if %cond3A_37 {
      %dma_start3A_68 = arith.constant 0 : i32
      %dma_start3A_69 = arith.constant 0 : i32
      %dma_start3A_70 = tpu.memref_slice %arg8[%dma_start3A_68, %dma_start3A_69] : memref<158x128xi32, #tpu.memory_space<vmem>> -> memref<1x128xi32, #tpu.memory_space<vmem>>
      %dma_start3A_71 = tpu.memref_squeeze %dma_start3A_70 : memref<1x128xi32, #tpu.memory_space<vmem>> -> memref<128xi32, #tpu.memory_space<vmem>>
      %dma_start3A_72 = arith.constant 0 : i32
      %dma_start3A_73 = arith.constant 0 : i32
      %dma_start3A_74 = tpu.memref_slice %arg3[%dma_start3A_72, %dma_start3A_73] : memref<10000x64xf32, #tpu.memory_space<hbm>> -> memref<10000x64xf32, #tpu.memory_space<hbm>>
      tpu.enqueue_indirect_dma source(%dma_start3A_74 : memref<10000x64xf32, #tpu.memory_space<hbm>>) target(%arg10 : memref<128x64xf32, #tpu.memory_space<vmem>>) offsets(%dma_start3A_71 : memref<128xi32, #tpu.memory_space<vmem>>) semaphore(%arg14 : memref<!tpu.dma_semaphore, #tpu.memory_space<semaphore_mem>>)
    } else {
    }
    %scan3A = arith.constant 0 : i32
    %scan3A_38 = arith.constant 0 : i32
    %scan3A_39 = arith.constant 5 : i32
    %scan3A_40 = arith.addi %scan3A_38, %scan3A_39 : i32
    %scan3A_41 = arith.constant 1 : i32
    scf.for %scan3A_68 = %scan3A_38 to %scan3A_40 step %scan3A_41  : i32 {
      %mul3A_69 = arith.constant 128 : i32
      %mul3A_70 = arith.muli %scan3A_68, %mul3A_69 : i32
      %add3A = arith.addi %mul3A_0, %mul3A_70 : i32
      %dma_start3A_71 = arith.constant 0 : i32
      %dma_start3A_72 = tpu.memref_slice %arg13[%add3A, %dma_start3A_71] : memref<10240x64xf32, #tpu.memory_space<vmem_shared>> -> memref<128x64xf32, #tpu.memory_space<vmem_shared>>
      %dma_start3A_73 = arith.constant 0 : i32
      %dma_start3A_74 = tpu.memref_slice %arg13[%add3A, %dma_start3A_73] : memref<10240x64xf32, #tpu.memory_space<vmem_shared>> -> memref<128x64xf32, #tpu.memory_space<vmem_shared>>
      tpu.enqueue_dma source(%arg12 : memref<128x64xf32, #tpu.memory_space<vmem>>) target(%dma_start3A_74 : memref<128x64xf32, #tpu.memory_space<vmem_shared>>) target_semaphore(%arg16 : memref<!tpu.dma_semaphore, #tpu.memory_space<semaphore_mem>>)
    }
    %scan3A_42 = arith.constant 5 : i32
    %scan3A_43 = arith.constant 0 : i32
    %scan3A_44 = arith.constant 0 : i32
    %scan3A_45 = arith.constant 5 : i32
    %scan3A_46 = arith.addi %scan3A_44, %scan3A_45 : i32
    %scan3A_47 = arith.constant 1 : i32
    scf.for %scan3A_68 = %scan3A_44 to %scan3A_46 step %scan3A_47  : i32 {
      %dma_wait3A_69 = arith.constant 0 : i32
      %dma_wait3A_70 = tpu.memref_slice %arg13[%mul3A_0, %dma_wait3A_69] : memref<10240x64xf32, #tpu.memory_space<vmem_shared>> -> memref<128x64xf32, #tpu.memory_space<vmem_shared>>
      %dma_wait3A_71 = arith.constant 0 : i32
      %dma_wait3A_72 = tpu.memref_slice %arg13[%mul3A_0, %dma_wait3A_71] : memref<10240x64xf32, #tpu.memory_space<vmem_shared>> -> memref<128x64xf32, #tpu.memory_space<vmem_shared>>
      tpu.wait_dma2 semaphore(%arg16 : memref<!tpu.dma_semaphore, #tpu.memory_space<semaphore_mem>>) src(%arg12 : memref<128x64xf32, #tpu.memory_space<vmem>>) dst(%dma_wait3A_72 : memref<128x64xf32, #tpu.memory_space<vmem_shared>>)
    }
    %scan3A_48 = arith.constant 5 : i32
    %barrier3A = arith.constant 0 : index
    tpu.barrier barrier_id(%barrier3A)
    %scan3A_49 = arith.constant 0 : i32
    %scan3A_50 = arith.constant 0 : i32
    %scan3A_51 = arith.constant 79 : i32
    %scan3A_52 = arith.addi %scan3A_50, %scan3A_51 : i32
    %scan3A_53 = arith.constant 1 : i32
    scf.for %scan3A_68 = %scan3A_50 to %scan3A_52 step %scan3A_53  : i32 {
      %mul3A_69 = arith.constant 2 : i32
      %mul3A_70 = arith.muli %mul3A_69, %scan3A_68 : i32
      %add3A = arith.constant 1 : i32
      %add3A_71 = arith.addi %mul3A_70, %add3A : i32
      %eq3A_72 = arith.constant 0 : i32
      %eq3A_73 = arith.cmpi eq, %arg0, %eq3A_72 : i32
      %convert_element_type3A_74 = arith.extui %eq3A_73 : i1 to i32
      %cond3A_75 = arith.constant 0 : i32
      %cond3A_76 = arith.cmpi ne, %convert_element_type3A_74, %cond3A_75 : i32
      scf.if %cond3A_76 {
        %dma_start3A_104 = arith.constant 0 : i32
        %dma_start3A_105 = tpu.memref_slice %arg8[%add3A_71, %dma_start3A_104] : memref<158x128xi32, #tpu.memory_space<vmem>> -> memref<1x128xi32, #tpu.memory_space<vmem>>
        %dma_start3A_106 = tpu.memref_squeeze %dma_start3A_105 : memref<1x128xi32, #tpu.memory_space<vmem>> -> memref<128xi32, #tpu.memory_space<vmem>>
        %dma_start3A_107 = arith.constant 0 : i32
        %dma_start3A_108 = arith.constant 0 : i32
        %dma_start3A_109 = tpu.memref_slice %arg2[%dma_start3A_107, %dma_start3A_108] : memref<10000x64xf32, #tpu.memory_space<hbm>> -> memref<10000x64xf32, #tpu.memory_space<hbm>>
        tpu.enqueue_indirect_dma source(%dma_start3A_109 : memref<10000x64xf32, #tpu.memory_space<hbm>>) target(%arg11 : memref<128x64xf32, #tpu.memory_space<vmem>>) offsets(%dma_start3A_106 : memref<128xi32, #tpu.memory_space<vmem>>) semaphore(%arg15 : memref<!tpu.dma_semaphore, #tpu.memory_space<semaphore_mem>>)
      } else {
      }
      %eq3A_77 = arith.constant 1 : i32
      %eq3A_78 = arith.cmpi eq, %arg0, %eq3A_77 : i32
      %convert_element_type3A_79 = arith.extui %eq3A_78 : i1 to i32
      %cond3A_80 = arith.constant 0 : i32
      %cond3A_81 = arith.cmpi ne, %convert_element_type3A_79, %cond3A_80 : i32
      scf.if %cond3A_81 {
        %dma_start3A_104 = arith.constant 0 : i32
        %dma_start3A_105 = tpu.memref_slice %arg8[%add3A_71, %dma_start3A_104] : memref<158x128xi32, #tpu.memory_space<vmem>> -> memref<1x128xi32, #tpu.memory_space<vmem>>
        %dma_start3A_106 = tpu.memref_squeeze %dma_start3A_105 : memref<1x128xi32, #tpu.memory_space<vmem>> -> memref<128xi32, #tpu.memory_space<vmem>>
        %dma_start3A_107 = arith.constant 0 : i32
        %dma_start3A_108 = arith.constant 0 : i32
        %dma_start3A_109 = tpu.memref_slice %arg3[%dma_start3A_107, %dma_start3A_108] : memref<10000x64xf32, #tpu.memory_space<hbm>> -> memref<10000x64xf32, #tpu.memory_space<hbm>>
        tpu.enqueue_indirect_dma source(%dma_start3A_109 : memref<10000x64xf32, #tpu.memory_space<hbm>>) target(%arg11 : memref<128x64xf32, #tpu.memory_space<vmem>>) offsets(%dma_start3A_106 : memref<128xi32, #tpu.memory_space<vmem>>) semaphore(%arg15 : memref<!tpu.dma_semaphore, #tpu.memory_space<semaphore_mem>>)
      } else {
      }
      %dma_wait3A_82 = arith.constant 0 : i32
      %dma_wait3A_83 = arith.constant 0 : i32
      %dma_wait3A_84 = tpu.memref_slice %arg8[%dma_wait3A_82, %dma_wait3A_83] : memref<158x128xi32, #tpu.memory_space<vmem>> -> memref<1x128xi32, #tpu.memory_space<vmem>>
      %dma_wait3A_85 = tpu.memref_squeeze %dma_wait3A_84 : memref<1x128xi32, #tpu.memory_space<vmem>> -> memref<128xi32, #tpu.memory_space<vmem>>
      %dma_wait3A_86 = arith.constant 0 : i32
      %dma_wait3A_87 = arith.constant 0 : i32
      %dma_wait3A_88 = tpu.memref_slice %arg2[%dma_wait3A_86, %dma_wait3A_87] : memref<10000x64xf32, #tpu.memory_space<hbm>> -> memref<10000x64xf32, #tpu.memory_space<hbm>>
      tpu.wait_indirect_dma semaphore(%arg14 : memref<!tpu.dma_semaphore, #tpu.memory_space<semaphore_mem>>) src(%dma_wait3A_88 : memref<10000x64xf32, #tpu.memory_space<hbm>>) dst(%arg10 : memref<128x64xf32, #tpu.memory_space<vmem>>)
      "tpu.region"() ({
        %run_scoped3A = tpu.sem_alloc : memref<!tpu.dma_semaphore, #tpu.memory_space<semaphore_mem>>
        %dma_start3A_104 = arith.constant 0 : i32
        %dma_start3A_105 = tpu.memref_slice %arg9[%mul3A_70, %dma_start3A_104] : memref<158x128xi32, #tpu.memory_space<vmem>> -> memref<1x128xi32, #tpu.memory_space<vmem>>
        %dma_start3A_106 = tpu.memref_squeeze %dma_start3A_105 : memref<1x128xi32, #tpu.memory_space<vmem>> -> memref<128xi32, #tpu.memory_space<vmem>>
        %dma_start3A_107 = arith.constant 0 : i32
        %dma_start3A_108 = arith.constant 0 : i32
        %dma_start3A_109 = tpu.memref_slice %arg13[%dma_start3A_107, %dma_start3A_108] : memref<10240x64xf32, #tpu.memory_space<vmem_shared>> -> memref<10240x64xf32, #tpu.memory_space<vmem_shared>>
        tpu.enqueue_indirect_dma source(%arg10 : memref<128x64xf32, #tpu.memory_space<vmem>>) target(%dma_start3A_109 : memref<10240x64xf32, #tpu.memory_space<vmem_shared>>) offsets(%dma_start3A_106 : memref<128xi32, #tpu.memory_space<vmem>>) semaphore(%run_scoped3A : memref<!tpu.dma_semaphore, #tpu.memory_space<semaphore_mem>>) {add = true}
        %dma_wait3A_110 = arith.constant 0 : i32
        %dma_wait3A_111 = tpu.memref_slice %arg9[%mul3A_70, %dma_wait3A_110] : memref<158x128xi32, #tpu.memory_space<vmem>> -> memref<1x128xi32, #tpu.memory_space<vmem>>
        %dma_wait3A_112 = tpu.memref_squeeze %dma_wait3A_111 : memref<1x128xi32, #tpu.memory_space<vmem>> -> memref<128xi32, #tpu.memory_space<vmem>>
        %dma_wait3A_113 = arith.constant 0 : i32
        %dma_wait3A_114 = arith.constant 0 : i32
        %dma_wait3A_115 = tpu.memref_slice %arg13[%dma_wait3A_113, %dma_wait3A_114] : memref<10240x64xf32, #tpu.memory_space<vmem_shared>> -> memref<10240x64xf32, #tpu.memory_space<vmem_shared>>
        tpu.wait_indirect_dma semaphore(%run_scoped3A : memref<!tpu.dma_semaphore, #tpu.memory_space<semaphore_mem>>) src(%arg10 : memref<128x64xf32, #tpu.memory_space<vmem>>) dst(%dma_wait3A_115 : memref<10240x64xf32, #tpu.memory_space<vmem_shared>>)
        tpu.yield
      }) : () -> ()
      %add3A_89 = arith.constant 2 : i32
      %add3A_90 = arith.addi %mul3A_70, %add3A_89 : i32
      %lt3A = arith.constant 158 : i32
      %lt3A_91 = arith.cmpi slt, %add3A_90, %lt3A : i32
      %convert_element_type3A_92 = arith.extui %lt3A_91 : i1 to i32
      %cond3A_93 = arith.constant 0 : i32
      %cond3A_94 = arith.cmpi ne, %convert_element_type3A_92, %cond3A_93 : i32
      scf.if %cond3A_94 {
        %add3A_104 = arith.constant 2 : i32
        %add3A_105 = arith.addi %mul3A_70, %add3A_104 : i32
        %eq3A_106 = arith.constant 0 : i32
        %eq3A_107 = arith.cmpi eq, %arg0, %eq3A_106 : i32
        %convert_element_type3A_108 = arith.extui %eq3A_107 : i1 to i32
        %cond3A_109 = arith.constant 0 : i32
        %cond3A_110 = arith.cmpi ne, %convert_element_type3A_108, %cond3A_109 : i32
        scf.if %cond3A_110 {
          %dma_start3A_116 = arith.constant 0 : i32
          %dma_start3A_117 = tpu.memref_slice %arg8[%add3A_105, %dma_start3A_116] : memref<158x128xi32, #tpu.memory_space<vmem>> -> memref<1x128xi32, #tpu.memory_space<vmem>>
          %dma_start3A_118 = tpu.memref_squeeze %dma_start3A_117 : memref<1x128xi32, #tpu.memory_space<vmem>> -> memref<128xi32, #tpu.memory_space<vmem>>
          %dma_start3A_119 = arith.constant 0 : i32
          %dma_start3A_120 = arith.constant 0 : i32
          %dma_start3A_121 = tpu.memref_slice %arg2[%dma_start3A_119, %dma_start3A_120] : memref<10000x64xf32, #tpu.memory_space<hbm>> -> memref<10000x64xf32, #tpu.memory_space<hbm>>
          tpu.enqueue_indirect_dma source(%dma_start3A_121 : memref<10000x64xf32, #tpu.memory_space<hbm>>) target(%arg10 : memref<128x64xf32, #tpu.memory_space<vmem>>) offsets(%dma_start3A_118 : memref<128xi32, #tpu.memory_space<vmem>>) semaphore(%arg14 : memref<!tpu.dma_semaphore, #tpu.memory_space<semaphore_mem>>)
        } else {
        }
        %eq3A_111 = arith.constant 1 : i32
        %eq3A_112 = arith.cmpi eq, %arg0, %eq3A_111 : i32
        %convert_element_type3A_113 = arith.extui %eq3A_112 : i1 to i32
        %cond3A_114 = arith.constant 0 : i32
        %cond3A_115 = arith.cmpi ne, %convert_element_type3A_113, %cond3A_114 : i32
        scf.if %cond3A_115 {
          %dma_start3A_116 = arith.constant 0 : i32
          %dma_start3A_117 = tpu.memref_slice %arg8[%add3A_105, %dma_start3A_116] : memref<158x128xi32, #tpu.memory_space<vmem>> -> memref<1x128xi32, #tpu.memory_space<vmem>>
          %dma_start3A_118 = tpu.memref_squeeze %dma_start3A_117 : memref<1x128xi32, #tpu.memory_space<vmem>> -> memref<128xi32, #tpu.memory_space<vmem>>
          %dma_start3A_119 = arith.constant 0 : i32
          %dma_start3A_120 = arith.constant 0 : i32
          %dma_start3A_121 = tpu.memref_slice %arg3[%dma_start3A_119, %dma_start3A_120] : memref<10000x64xf32, #tpu.memory_space<hbm>> -> memref<10000x64xf32, #tpu.memory_space<hbm>>
          tpu.enqueue_indirect_dma source(%dma_start3A_121 : memref<10000x64xf32, #tpu.memory_space<hbm>>) target(%arg10 : memref<128x64xf32, #tpu.memory_space<vmem>>) offsets(%dma_start3A_118 : memref<128xi32, #tpu.memory_space<vmem>>) semaphore(%arg14 : memref<!tpu.dma_semaphore, #tpu.memory_space<semaphore_mem>>)
        } else {
        }
      } else {
      }
      %dma_wait3A_95 = arith.constant 0 : i32
      %dma_wait3A_96 = arith.constant 0 : i32
      %dma_wait3A_97 = tpu.memref_slice %arg8[%dma_wait3A_95, %dma_wait3A_96] : memref<158x128xi32, #tpu.memory_space<vmem>> -> memref<1x128xi32, #tpu.memory_space<vmem>>
      %dma_wait3A_98 = tpu.memref_squeeze %dma_wait3A_97 : memref<1x128xi32, #tpu.memory_space<vmem>> -> memref<128xi32, #tpu.memory_space<vmem>>
      %dma_wait3A_99 = arith.constant 0 : i32
      %dma_wait3A_100 = arith.constant 0 : i32
      %dma_wait3A_101 = tpu.memref_slice %arg2[%dma_wait3A_99, %dma_wait3A_100] : memref<10000x64xf32, #tpu.memory_space<hbm>> -> memref<10000x64xf32, #tpu.memory_space<hbm>>
      tpu.wait_indirect_dma semaphore(%arg15 : memref<!tpu.dma_semaphore, #tpu.memory_space<semaphore_mem>>) src(%dma_wait3A_101 : memref<10000x64xf32, #tpu.memory_space<hbm>>) dst(%arg11 : memref<128x64xf32, #tpu.memory_space<vmem>>)
      %add3A_102 = arith.constant 1 : i32
      %add3A_103 = arith.addi %mul3A_70, %add3A_102 : i32
      "tpu.region"() ({
        %run_scoped3A = tpu.sem_alloc : memref<!tpu.dma_semaphore, #tpu.memory_space<semaphore_mem>>
        %dma_start3A_104 = arith.constant 0 : i32
        %dma_start3A_105 = tpu.memref_slice %arg9[%add3A_103, %dma_start3A_104] : memref<158x128xi32, #tpu.memory_space<vmem>> -> memref<1x128xi32, #tpu.memory_space<vmem>>
        %dma_start3A_106 = tpu.memref_squeeze %dma_start3A_105 : memref<1x128xi32, #tpu.memory_space<vmem>> -> memref<128xi32, #tpu.memory_space<vmem>>
        %dma_start3A_107 = arith.constant 0 : i32
        %dma_start3A_108 = arith.constant 0 : i32
        %dma_start3A_109 = tpu.memref_slice %arg13[%dma_start3A_107, %dma_start3A_108] : memref<10240x64xf32, #tpu.memory_space<vmem_shared>> -> memref<10240x64xf32, #tpu.memory_space<vmem_shared>>
        tpu.enqueue_indirect_dma source(%arg11 : memref<128x64xf32, #tpu.memory_space<vmem>>) target(%dma_start3A_109 : memref<10240x64xf32, #tpu.memory_space<vmem_shared>>) offsets(%dma_start3A_106 : memref<128xi32, #tpu.memory_space<vmem>>) semaphore(%run_scoped3A : memref<!tpu.dma_semaphore, #tpu.memory_space<semaphore_mem>>) {add = true}
        %dma_wait3A_110 = arith.constant 0 : i32
        %dma_wait3A_111 = tpu.memref_slice %arg9[%add3A_103, %dma_wait3A_110] : memref<158x128xi32, #tpu.memory_space<vmem>> -> memref<1x128xi32, #tpu.memory_space<vmem>>
        %dma_wait3A_112 = tpu.memref_squeeze %dma_wait3A_111 : memref<1x128xi32, #tpu.memory_space<vmem>> -> memref<128xi32, #tpu.memory_space<vmem>>
        %dma_wait3A_113 = arith.constant 0 : i32
        %dma_wait3A_114 = arith.constant 0 : i32
        %dma_wait3A_115 = tpu.memref_slice %arg13[%dma_wait3A_113, %dma_wait3A_114] : memref<10240x64xf32, #tpu.memory_space<vmem_shared>> -> memref<10240x64xf32, #tpu.memory_space<vmem_shared>>
        tpu.wait_indirect_dma semaphore(%run_scoped3A : memref<!tpu.dma_semaphore, #tpu.memory_space<semaphore_mem>>) src(%arg11 : memref<128x64xf32, #tpu.memory_space<vmem>>) dst(%dma_wait3A_115 : memref<10240x64xf32, #tpu.memory_space<vmem_shared>>)
        tpu.yield
      }) : () -> ()
    }
    %scan3A_54 = arith.constant 79 : i32
    %barrier3A_55 = arith.constant 0 : index
    tpu.barrier barrier_id(%barrier3A_55)
    %scan3A_56 = arith.constant 0 : i32
    %scan3A_57 = arith.constant 0 : i32
    %scan3A_58 = arith.constant 5 : i32
    %scan3A_59 = arith.addi %scan3A_57, %scan3A_58 : i32
    %scan3A_60 = arith.constant 1 : i32
    scf.for %scan3A_68 = %scan3A_57 to %scan3A_59 step %scan3A_60  : i32 {
      %mul3A_69 = arith.constant 128 : i32
      %mul3A_70 = arith.muli %scan3A_68, %mul3A_69 : i32
      %add3A = arith.addi %mul3A_0, %mul3A_70 : i32
      %mul3A_71 = arith.constant 128 : i32
      %mul3A_72 = arith.muli %scan3A_68, %mul3A_71 : i32
      %add3A_73 = arith.addi %mul3A_0, %mul3A_72 : i32
      %dma_start3A_74 = arith.constant 0 : i32
      %dma_start3A_75 = arith.constant 0 : i32
      %dma_start3A_76 = tpu.memref_slice %arg7[%arg0, %dma_start3A_74, %dma_start3A_75] : memref<2x10240x64xf32, #tpu.memory_space<hbm>> -> memref<1x10240x64xf32, #tpu.memory_space<hbm>>
      %dma_start3A_77 = tpu.memref_squeeze %dma_start3A_76 : memref<1x10240x64xf32, #tpu.memory_space<hbm>> -> memref<10240x64xf32, #tpu.memory_space<hbm>>
      %dma_start3A_78 = arith.constant 0 : i32
      %dma_start3A_79 = tpu.memref_slice %dma_start3A_77[%add3A_73, %dma_start3A_78] : memref<10240x64xf32, #tpu.memory_space<hbm>> -> memref<128x64xf32, #tpu.memory_space<hbm>>
      %dma_start3A_80 = arith.constant 0 : i32
      %dma_start3A_81 = tpu.memref_slice %arg13[%add3A, %dma_start3A_80] : memref<10240x64xf32, #tpu.memory_space<vmem_shared>> -> memref<128x64xf32, #tpu.memory_space<vmem_shared>>
      tpu.enqueue_dma source(%dma_start3A_81 : memref<128x64xf32, #tpu.memory_space<vmem_shared>>) target(%dma_start3A_79 : memref<128x64xf32, #tpu.memory_space<hbm>>) target_semaphore(%arg14 : memref<!tpu.dma_semaphore, #tpu.memory_space<semaphore_mem>>)
    }
    %scan3A_61 = arith.constant 5 : i32
    %scan3A_62 = arith.constant 0 : i32
    %scan3A_63 = arith.constant 0 : i32
    %scan3A_64 = arith.constant 5 : i32
    %scan3A_65 = arith.addi %scan3A_63, %scan3A_64 : i32
    %scan3A_66 = arith.constant 1 : i32
    scf.for %scan3A_68 = %scan3A_63 to %scan3A_65 step %scan3A_66  : i32 {
      %dma_wait3A_69 = arith.constant 0 : i32
      %dma_wait3A_70 = arith.constant 0 : i32
      %dma_wait3A_71 = tpu.memref_slice %arg7[%arg0, %dma_wait3A_69, %dma_wait3A_70] : memref<2x10240x64xf32, #tpu.memory_space<hbm>> -> memref<1x10240x64xf32, #tpu.memory_space<hbm>>
      %dma_wait3A_72 = tpu.memref_squeeze %dma_wait3A_71 : memref<1x10240x64xf32, #tpu.memory_space<hbm>> -> memref<10240x64xf32, #tpu.memory_space<hbm>>
      %dma_wait3A_73 = arith.constant 0 : i32
      %dma_wait3A_74 = tpu.memref_slice %dma_wait3A_72[%mul3A_0, %dma_wait3A_73] : memref<10240x64xf32, #tpu.memory_space<hbm>> -> memref<128x64xf32, #tpu.memory_space<hbm>>
      %dma_wait3A_75 = arith.constant 0 : i32
      %dma_wait3A_76 = tpu.memref_slice %arg13[%mul3A_0, %dma_wait3A_75] : memref<10240x64xf32, #tpu.memory_space<vmem_shared>> -> memref<128x64xf32, #tpu.memory_space<vmem_shared>>
      tpu.wait_dma2 semaphore(%arg14 : memref<!tpu.dma_semaphore, #tpu.memory_space<semaphore_mem>>) src(%dma_wait3A_76 : memref<128x64xf32, #tpu.memory_space<vmem_shared>>) dst(%dma_wait3A_74 : memref<128x64xf32, #tpu.memory_space<hbm>>)
    }
    %scan3A_67 = arith.constant 5 : i32
    return
  }
}

#map = affine_map<(d0, d1) -> (0, 0)>
#map1 = affine_map<(d0, d1) -> (0, 0, 0)>
module attributes {stable_mosaic.version = 14 : i64} {
  func.func @k(%arg0: i32, %arg1: i32, %arg2: memref<10000x64xf32, #tpu.memory_space<hbm>>, %arg3: memref<10000x64xf32, #tpu.memory_space<hbm>>, %arg4: memref<16x158x128xi32, #tpu.memory_space<hbm>>, %arg5: memref<16x158x128xi32, #tpu.memory_space<hbm>>, %arg6: memref<128x64xf32, #tpu.memory_space<hbm>>, %arg7: memref<2x10240x64xf32, #tpu.memory_space<hbm>>, %arg8: memref<158x128xi32, #tpu.memory_space<vmem>>, %arg9: memref<158x128xi32, #tpu.memory_space<vmem>>, %arg10: memref<128x64xf32, #tpu.memory_space<vmem>>, %arg11: memref<128x64xf32, #tpu.memory_space<vmem>>, %arg12: memref<128x64xf32, #tpu.memory_space<vmem>>, %arg13: memref<10240x64xf32, #tpu.memory_space<vmem_shared>>, %arg14: memref<!tpu.dma_semaphore, #tpu.memory_space<semaphore_mem>>, %arg15: memref<!tpu.dma_semaphore, #tpu.memory_space<semaphore_mem>>, %arg16: memref<!tpu.dma_semaphore, #tpu.memory_space<semaphore_mem>>, %arg17: memref<!tpu.dma_semaphore, #tpu.memory_space<semaphore_mem>>) attributes {dimension_semantics = [#tpu.dimension_semantics<core_parallel>, #tpu.dimension_semantics<subcore_parallel>], iteration_bounds = array<i64: 2, 16>, scalar_prefetch = 0 : i64, scratch_operands = 10 : i64, tpu.core_type = #tpu.core_type<sc_vector_subcore>, window_params = [{transform_indices = #map}, {transform_indices = #map}, {transform_indices = #map1}, {transform_indices = #map1}, {transform_indices = #map}, {transform_indices = #map1}]} {
    %mul3A = arith.constant 640 : i32
    %mul3A_0 = arith.muli %arg1, %mul3A : i32
    %dma_start3A = arith.constant 0 : i32
    %dma_start3A_1 = arith.constant 0 : i32
    %dma_start3A_2 = tpu.memref_slice %arg4[%arg1, %dma_start3A, %dma_start3A_1] : memref<16x158x128xi32, #tpu.memory_space<hbm>> -> memref<1x158x128xi32, #tpu.memory_space<hbm>>
    %dma_start3A_3 = tpu.memref_squeeze %dma_start3A_2 : memref<1x158x128xi32, #tpu.memory_space<hbm>> -> memref<158x128xi32, #tpu.memory_space<hbm>>
    %dma_start3A_4 = arith.constant 0 : i32
    %dma_start3A_5 = arith.constant 0 : i32
    %dma_start3A_6 = tpu.memref_slice %arg4[%arg1, %dma_start3A_4, %dma_start3A_5] : memref<16x158x128xi32, #tpu.memory_space<hbm>> -> memref<1x158x128xi32, #tpu.memory_space<hbm>>
    %dma_start3A_7 = tpu.memref_squeeze %dma_start3A_6 : memref<1x158x128xi32, #tpu.memory_space<hbm>> -> memref<158x128xi32, #tpu.memory_space<hbm>>
    tpu.enqueue_dma source(%dma_start3A_7 : memref<158x128xi32, #tpu.memory_space<hbm>>) target(%arg8 : memref<158x128xi32, #tpu.memory_space<vmem>>) target_semaphore(%arg16 : memref<!tpu.dma_semaphore, #tpu.memory_space<semaphore_mem>>)
    %dma_start3A_8 = arith.constant 0 : i32
    %dma_start3A_9 = arith.constant 0 : i32
    %dma_start3A_10 = tpu.memref_slice %arg5[%arg1, %dma_start3A_8, %dma_start3A_9] : memref<16x158x128xi32, #tpu.memory_space<hbm>> -> memref<1x158x128xi32, #tpu.memory_space<hbm>>
    %dma_start3A_11 = tpu.memref_squeeze %dma_start3A_10 : memref<1x158x128xi32, #tpu.memory_space<hbm>> -> memref<158x128xi32, #tpu.memory_space<hbm>>
    %dma_start3A_12 = arith.constant 0 : i32
    %dma_start3A_13 = arith.constant 0 : i32
    %dma_start3A_14 = tpu.memref_slice %arg5[%arg1, %dma_start3A_12, %dma_start3A_13] : memref<16x158x128xi32, #tpu.memory_space<hbm>> -> memref<1x158x128xi32, #tpu.memory_space<hbm>>
    %dma_start3A_15 = tpu.memref_squeeze %dma_start3A_14 : memref<1x158x128xi32, #tpu.memory_space<hbm>> -> memref<158x128xi32, #tpu.memory_space<hbm>>
    tpu.enqueue_dma source(%dma_start3A_15 : memref<158x128xi32, #tpu.memory_space<hbm>>) target(%arg9 : memref<158x128xi32, #tpu.memory_space<vmem>>) target_semaphore(%arg17 : memref<!tpu.dma_semaphore, #tpu.memory_space<semaphore_mem>>)
    "tpu.region"() ({
      %run_scoped3A = tpu.sem_alloc : memref<!tpu.dma_semaphore, #tpu.memory_space<semaphore_mem>>
      tpu.enqueue_dma source(%arg6 : memref<128x64xf32, #tpu.memory_space<hbm>>) target(%arg12 : memref<128x64xf32, #tpu.memory_space<vmem>>) target_semaphore(%run_scoped3A : memref<!tpu.dma_semaphore, #tpu.memory_space<semaphore_mem>>)
      tpu.wait_dma2 semaphore(%run_scoped3A : memref<!tpu.dma_semaphore, #tpu.memory_space<semaphore_mem>>) src(%arg6 : memref<128x64xf32, #tpu.memory_space<hbm>>) dst(%arg12 : memref<128x64xf32, #tpu.memory_space<vmem>>)
      tpu.yield
    }) : () -> ()
    %dma_wait3A = arith.constant 0 : i32
    %dma_wait3A_16 = arith.constant 0 : i32
    %dma_wait3A_17 = tpu.memref_slice %arg4[%arg1, %dma_wait3A, %dma_wait3A_16] : memref<16x158x128xi32, #tpu.memory_space<hbm>> -> memref<1x158x128xi32, #tpu.memory_space<hbm>>
    %dma_wait3A_18 = tpu.memref_squeeze %dma_wait3A_17 : memref<1x158x128xi32, #tpu.memory_space<hbm>> -> memref<158x128xi32, #tpu.memory_space<hbm>>
    %dma_wait3A_19 = arith.constant 0 : i32
    %dma_wait3A_20 = arith.constant 0 : i32
    %dma_wait3A_21 = tpu.memref_slice %arg4[%arg1, %dma_wait3A_19, %dma_wait3A_20] : memref<16x158x128xi32, #tpu.memory_space<hbm>> -> memref<1x158x128xi32, #tpu.memory_space<hbm>>
    %dma_wait3A_22 = tpu.memref_squeeze %dma_wait3A_21 : memref<1x158x128xi32, #tpu.memory_space<hbm>> -> memref<158x128xi32, #tpu.memory_space<hbm>>
    tpu.wait_dma2 semaphore(%arg16 : memref<!tpu.dma_semaphore, #tpu.memory_space<semaphore_mem>>) src(%dma_wait3A_22 : memref<158x128xi32, #tpu.memory_space<hbm>>) dst(%arg8 : memref<158x128xi32, #tpu.memory_space<vmem>>)
    %dma_wait3A_23 = arith.constant 0 : i32
    %dma_wait3A_24 = arith.constant 0 : i32
    %dma_wait3A_25 = tpu.memref_slice %arg5[%arg1, %dma_wait3A_23, %dma_wait3A_24] : memref<16x158x128xi32, #tpu.memory_space<hbm>> -> memref<1x158x128xi32, #tpu.memory_space<hbm>>
    %dma_wait3A_26 = tpu.memref_squeeze %dma_wait3A_25 : memref<1x158x128xi32, #tpu.memory_space<hbm>> -> memref<158x128xi32, #tpu.memory_space<hbm>>
    %dma_wait3A_27 = arith.constant 0 : i32
    %dma_wait3A_28 = arith.constant 0 : i32
    %dma_wait3A_29 = tpu.memref_slice %arg5[%arg1, %dma_wait3A_27, %dma_wait3A_28] : memref<16x158x128xi32, #tpu.memory_space<hbm>> -> memref<1x158x128xi32, #tpu.memory_space<hbm>>
    %dma_wait3A_30 = tpu.memref_squeeze %dma_wait3A_29 : memref<1x158x128xi32, #tpu.memory_space<hbm>> -> memref<158x128xi32, #tpu.memory_space<hbm>>
    tpu.wait_dma2 semaphore(%arg17 : memref<!tpu.dma_semaphore, #tpu.memory_space<semaphore_mem>>) src(%dma_wait3A_30 : memref<158x128xi32, #tpu.memory_space<hbm>>) dst(%arg9 : memref<158x128xi32, #tpu.memory_space<vmem>>)
    %eq3A = arith.constant 0 : i32
    %eq3A_31 = arith.cmpi eq, %arg0, %eq3A : i32
    %convert_element_type3A = arith.extui %eq3A_31 : i1 to i32
    %cond3A = arith.constant 0 : i32
    %cond3A_32 = arith.cmpi ne, %convert_element_type3A, %cond3A : i32
    scf.if %cond3A_32 {
      %dma_start3A_68 = arith.constant 0 : i32
      %dma_start3A_69 = arith.constant 0 : i32
      %dma_start3A_70 = tpu.memref_slice %arg8[%dma_start3A_68, %dma_start3A_69] : memref<158x128xi32, #tpu.memory_space<vmem>> -> memref<1x128xi32, #tpu.memory_space<vmem>>
      %dma_start3A_71 = tpu.memref_squeeze %dma_start3A_70 : memref<1x128xi32, #tpu.memory_space<vmem>> -> memref<128xi32, #tpu.memory_space<vmem>>
      %dma_start3A_72 = arith.constant 0 : i32
      %dma_start3A_73 = arith.constant 0 : i32
      %dma_start3A_74 = tpu.memref_slice %arg2[%dma_start3A_72, %dma_start3A_73] : memref<10000x64xf32, #tpu.memory_space<hbm>> -> memref<10000x64xf32, #tpu.memory_space<hbm>>
      tpu.enqueue_indirect_dma source(%dma_start3A_74 : memref<10000x64xf32, #tpu.memory_space<hbm>>) target(%arg10 : memref<128x64xf32, #tpu.memory_space<vmem>>) offsets(%dma_start3A_71 : memref<128xi32, #tpu.memory_space<vmem>>) semaphore(%arg14 : memref<!tpu.dma_semaphore, #tpu.memory_space<semaphore_mem>>)
    } else {
    }
    %eq3A_33 = arith.constant 1 : i32
    %eq3A_34 = arith.cmpi eq, %arg0, %eq3A_33 : i32
    %convert_element_type3A_35 = arith.extui %eq3A_34 : i1 to i32
    %cond3A_36 = arith.constant 0 : i32
    %cond3A_37 = arith.cmpi ne, %convert_element_type3A_35, %cond3A_36 : i32
    scf.if %cond3A_37 {
      %dma_start3A_68 = arith.constant 0 : i32
      %dma_start3A_69 = arith.constant 0 : i32
      %dma_start3A_70 = tpu.memref_slice %arg8[%dma_start3A_68, %dma_start3A_69] : memref<158x128xi32, #tpu.memory_space<vmem>> -> memref<1x128xi32, #tpu.memory_space<vmem>>
      %dma_start3A_71 = tpu.memref_squeeze %dma_start3A_70 : memref<1x128xi32, #tpu.memory_space<vmem>> -> memref<128xi32, #tpu.memory_space<vmem>>
      %dma_start3A_72 = arith.constant 0 : i32
      %dma_start3A_73 = arith.constant 0 : i32
      %dma_start3A_74 = tpu.memref_slice %arg3[%dma_start3A_72, %dma_start3A_73] : memref<10000x64xf32, #tpu.memory_space<hbm>> -> memref<10000x64xf32, #tpu.memory_space<hbm>>
      tpu.enqueue_indirect_dma source(%dma_start3A_74 : memref<10000x64xf32, #tpu.memory_space<hbm>>) target(%arg10 : memref<128x64xf32, #tpu.memory_space<vmem>>) offsets(%dma_start3A_71 : memref<128xi32, #tpu.memory_space<vmem>>) semaphore(%arg14 : memref<!tpu.dma_semaphore, #tpu.memory_space<semaphore_mem>>)
    } else {
    }
    %scan3A = arith.constant 0 : i32
    %scan3A_38 = arith.constant 0 : i32
    %scan3A_39 = arith.constant 5 : i32
    %scan3A_40 = arith.addi %scan3A_38, %scan3A_39 : i32
    %scan3A_41 = arith.constant 1 : i32
    scf.for %scan3A_68 = %scan3A_38 to %scan3A_40 step %scan3A_41  : i32 {
      %mul3A_69 = arith.constant 128 : i32
      %mul3A_70 = arith.muli %scan3A_68, %mul3A_69 : i32
      %add3A = arith.addi %mul3A_0, %mul3A_70 : i32
      %dma_start3A_71 = arith.constant 0 : i32
      %dma_start3A_72 = tpu.memref_slice %arg13[%add3A, %dma_start3A_71] : memref<10240x64xf32, #tpu.memory_space<vmem_shared>> -> memref<128x64xf32, #tpu.memory_space<vmem_shared>>
      %dma_start3A_73 = arith.constant 0 : i32
      %dma_start3A_74 = tpu.memref_slice %arg13[%add3A, %dma_start3A_73] : memref<10240x64xf32, #tpu.memory_space<vmem_shared>> -> memref<128x64xf32, #tpu.memory_space<vmem_shared>>
      tpu.enqueue_dma source(%arg12 : memref<128x64xf32, #tpu.memory_space<vmem>>) target(%dma_start3A_74 : memref<128x64xf32, #tpu.memory_space<vmem_shared>>) target_semaphore(%arg16 : memref<!tpu.dma_semaphore, #tpu.memory_space<semaphore_mem>>)
    }
    %scan3A_42 = arith.constant 5 : i32
    %scan3A_43 = arith.constant 0 : i32
    %scan3A_44 = arith.constant 0 : i32
    %scan3A_45 = arith.constant 5 : i32
    %scan3A_46 = arith.addi %scan3A_44, %scan3A_45 : i32
    %scan3A_47 = arith.constant 1 : i32
    scf.for %scan3A_68 = %scan3A_44 to %scan3A_46 step %scan3A_47  : i32 {
      %dma_wait3A_69 = arith.constant 0 : i32
      %dma_wait3A_70 = tpu.memref_slice %arg13[%mul3A_0, %dma_wait3A_69] : memref<10240x64xf32, #tpu.memory_space<vmem_shared>> -> memref<128x64xf32, #tpu.memory_space<vmem_shared>>
      %dma_wait3A_71 = arith.constant 0 : i32
      %dma_wait3A_72 = tpu.memref_slice %arg13[%mul3A_0, %dma_wait3A_71] : memref<10240x64xf32, #tpu.memory_space<vmem_shared>> -> memref<128x64xf32, #tpu.memory_space<vmem_shared>>
      tpu.wait_dma2 semaphore(%arg16 : memref<!tpu.dma_semaphore, #tpu.memory_space<semaphore_mem>>) src(%arg12 : memref<128x64xf32, #tpu.memory_space<vmem>>) dst(%dma_wait3A_72 : memref<128x64xf32, #tpu.memory_space<vmem_shared>>)
    }
    %scan3A_48 = arith.constant 5 : i32
    %barrier3A = arith.constant 0 : index
    tpu.barrier barrier_id(%barrier3A)
    %scan3A_49 = arith.constant 0 : i32
    %scan3A_50 = arith.constant 0 : i32
    %scan3A_51 = arith.constant 79 : i32
    %scan3A_52 = arith.addi %scan3A_50, %scan3A_51 : i32
    %scan3A_53 = arith.constant 1 : i32
    scf.for %scan3A_68 = %scan3A_50 to %scan3A_52 step %scan3A_53  : i32 {
      %mul3A_69 = arith.constant 2 : i32
      %mul3A_70 = arith.muli %mul3A_69, %scan3A_68 : i32
      %add3A = arith.constant 1 : i32
      %add3A_71 = arith.addi %mul3A_70, %add3A : i32
      %eq3A_72 = arith.constant 0 : i32
      %eq3A_73 = arith.cmpi eq, %arg0, %eq3A_72 : i32
      %convert_element_type3A_74 = arith.extui %eq3A_73 : i1 to i32
      %cond3A_75 = arith.constant 0 : i32
      %cond3A_76 = arith.cmpi ne, %convert_element_type3A_74, %cond3A_75 : i32
      scf.if %cond3A_76 {
        %dma_start3A_104 = arith.constant 0 : i32
        %dma_start3A_105 = tpu.memref_slice %arg8[%add3A_71, %dma_start3A_104] : memref<158x128xi32, #tpu.memory_space<vmem>> -> memref<1x128xi32, #tpu.memory_space<vmem>>
        %dma_start3A_106 = tpu.memref_squeeze %dma_start3A_105 : memref<1x128xi32, #tpu.memory_space<vmem>> -> memref<128xi32, #tpu.memory_space<vmem>>
        %dma_start3A_107 = arith.constant 0 : i32
        %dma_start3A_108 = arith.constant 0 : i32
        %dma_start3A_109 = tpu.memref_slice %arg2[%dma_start3A_107, %dma_start3A_108] : memref<10000x64xf32, #tpu.memory_space<hbm>> -> memref<10000x64xf32, #tpu.memory_space<hbm>>
        tpu.enqueue_indirect_dma source(%dma_start3A_109 : memref<10000x64xf32, #tpu.memory_space<hbm>>) target(%arg11 : memref<128x64xf32, #tpu.memory_space<vmem>>) offsets(%dma_start3A_106 : memref<128xi32, #tpu.memory_space<vmem>>) semaphore(%arg15 : memref<!tpu.dma_semaphore, #tpu.memory_space<semaphore_mem>>)
      } else {
      }
      %eq3A_77 = arith.constant 1 : i32
      %eq3A_78 = arith.cmpi eq, %arg0, %eq3A_77 : i32
      %convert_element_type3A_79 = arith.extui %eq3A_78 : i1 to i32
      %cond3A_80 = arith.constant 0 : i32
      %cond3A_81 = arith.cmpi ne, %convert_element_type3A_79, %cond3A_80 : i32
      scf.if %cond3A_81 {
        %dma_start3A_104 = arith.constant 0 : i32
        %dma_start3A_105 = tpu.memref_slice %arg8[%add3A_71, %dma_start3A_104] : memref<158x128xi32, #tpu.memory_space<vmem>> -> memref<1x128xi32, #tpu.memory_space<vmem>>
        %dma_start3A_106 = tpu.memref_squeeze %dma_start3A_105 : memref<1x128xi32, #tpu.memory_space<vmem>> -> memref<128xi32, #tpu.memory_space<vmem>>
        %dma_start3A_107 = arith.constant 0 : i32
        %dma_start3A_108 = arith.constant 0 : i32
        %dma_start3A_109 = tpu.memref_slice %arg3[%dma_start3A_107, %dma_start3A_108] : memref<10000x64xf32, #tpu.memory_space<hbm>> -> memref<10000x64xf32, #tpu.memory_space<hbm>>
        tpu.enqueue_indirect_dma source(%dma_start3A_109 : memref<10000x64xf32, #tpu.memory_space<hbm>>) target(%arg11 : memref<128x64xf32, #tpu.memory_space<vmem>>) offsets(%dma_start3A_106 : memref<128xi32, #tpu.memory_space<vmem>>) semaphore(%arg15 : memref<!tpu.dma_semaphore, #tpu.memory_space<semaphore_mem>>)
      } else {
      }
      %dma_wait3A_82 = arith.constant 0 : i32
      %dma_wait3A_83 = arith.constant 0 : i32
      %dma_wait3A_84 = tpu.memref_slice %arg8[%dma_wait3A_82, %dma_wait3A_83] : memref<158x128xi32, #tpu.memory_space<vmem>> -> memref<1x128xi32, #tpu.memory_space<vmem>>
      %dma_wait3A_85 = tpu.memref_squeeze %dma_wait3A_84 : memref<1x128xi32, #tpu.memory_space<vmem>> -> memref<128xi32, #tpu.memory_space<vmem>>
      %dma_wait3A_86 = arith.constant 0 : i32
      %dma_wait3A_87 = arith.constant 0 : i32
      %dma_wait3A_88 = tpu.memref_slice %arg2[%dma_wait3A_86, %dma_wait3A_87] : memref<10000x64xf32, #tpu.memory_space<hbm>> -> memref<10000x64xf32, #tpu.memory_space<hbm>>
      tpu.wait_indirect_dma semaphore(%arg14 : memref<!tpu.dma_semaphore, #tpu.memory_space<semaphore_mem>>) src(%dma_wait3A_88 : memref<10000x64xf32, #tpu.memory_space<hbm>>) dst(%arg10 : memref<128x64xf32, #tpu.memory_space<vmem>>)
      "tpu.region"() ({
        %run_scoped3A = tpu.sem_alloc : memref<!tpu.dma_semaphore, #tpu.memory_space<semaphore_mem>>
        %dma_start3A_104 = arith.constant 0 : i32
        %dma_start3A_105 = tpu.memref_slice %arg9[%mul3A_70, %dma_start3A_104] : memref<158x128xi32, #tpu.memory_space<vmem>> -> memref<1x128xi32, #tpu.memory_space<vmem>>
        %dma_start3A_106 = tpu.memref_squeeze %dma_start3A_105 : memref<1x128xi32, #tpu.memory_space<vmem>> -> memref<128xi32, #tpu.memory_space<vmem>>
        %dma_start3A_107 = arith.constant 0 : i32
        %dma_start3A_108 = arith.constant 0 : i32
        %dma_start3A_109 = tpu.memref_slice %arg13[%dma_start3A_107, %dma_start3A_108] : memref<10240x64xf32, #tpu.memory_space<vmem_shared>> -> memref<10240x64xf32, #tpu.memory_space<vmem_shared>>
        tpu.enqueue_indirect_dma source(%arg10 : memref<128x64xf32, #tpu.memory_space<vmem>>) target(%dma_start3A_109 : memref<10240x64xf32, #tpu.memory_space<vmem_shared>>) offsets(%dma_start3A_106 : memref<128xi32, #tpu.memory_space<vmem>>) semaphore(%run_scoped3A : memref<!tpu.dma_semaphore, #tpu.memory_space<semaphore_mem>>) {add = true}
        %dma_wait3A_110 = arith.constant 0 : i32
        %dma_wait3A_111 = tpu.memref_slice %arg9[%mul3A_70, %dma_wait3A_110] : memref<158x128xi32, #tpu.memory_space<vmem>> -> memref<1x128xi32, #tpu.memory_space<vmem>>
        %dma_wait3A_112 = tpu.memref_squeeze %dma_wait3A_111 : memref<1x128xi32, #tpu.memory_space<vmem>> -> memref<128xi32, #tpu.memory_space<vmem>>
        %dma_wait3A_113 = arith.constant 0 : i32
        %dma_wait3A_114 = arith.constant 0 : i32
        %dma_wait3A_115 = tpu.memref_slice %arg13[%dma_wait3A_113, %dma_wait3A_114] : memref<10240x64xf32, #tpu.memory_space<vmem_shared>> -> memref<10240x64xf32, #tpu.memory_space<vmem_shared>>
        tpu.wait_indirect_dma semaphore(%run_scoped3A : memref<!tpu.dma_semaphore, #tpu.memory_space<semaphore_mem>>) src(%arg10 : memref<128x64xf32, #tpu.memory_space<vmem>>) dst(%dma_wait3A_115 : memref<10240x64xf32, #tpu.memory_space<vmem_shared>>)
        tpu.yield
      }) : () -> ()
      %add3A_89 = arith.constant 2 : i32
      %add3A_90 = arith.addi %mul3A_70, %add3A_89 : i32
      %lt3A = arith.constant 158 : i32
      %lt3A_91 = arith.cmpi slt, %add3A_90, %lt3A : i32
      %convert_element_type3A_92 = arith.extui %lt3A_91 : i1 to i32
      %cond3A_93 = arith.constant 0 : i32
      %cond3A_94 = arith.cmpi ne, %convert_element_type3A_92, %cond3A_93 : i32
      scf.if %cond3A_94 {
        %add3A_104 = arith.constant 2 : i32
        %add3A_105 = arith.addi %mul3A_70, %add3A_104 : i32
        %eq3A_106 = arith.constant 0 : i32
        %eq3A_107 = arith.cmpi eq, %arg0, %eq3A_106 : i32
        %convert_element_type3A_108 = arith.extui %eq3A_107 : i1 to i32
        %cond3A_109 = arith.constant 0 : i32
        %cond3A_110 = arith.cmpi ne, %convert_element_type3A_108, %cond3A_109 : i32
        scf.if %cond3A_110 {
          %dma_start3A_116 = arith.constant 0 : i32
          %dma_start3A_117 = tpu.memref_slice %arg8[%add3A_105, %dma_start3A_116] : memref<158x128xi32, #tpu.memory_space<vmem>> -> memref<1x128xi32, #tpu.memory_space<vmem>>
          %dma_start3A_118 = tpu.memref_squeeze %dma_start3A_117 : memref<1x128xi32, #tpu.memory_space<vmem>> -> memref<128xi32, #tpu.memory_space<vmem>>
          %dma_start3A_119 = arith.constant 0 : i32
          %dma_start3A_120 = arith.constant 0 : i32
          %dma_start3A_121 = tpu.memref_slice %arg2[%dma_start3A_119, %dma_start3A_120] : memref<10000x64xf32, #tpu.memory_space<hbm>> -> memref<10000x64xf32, #tpu.memory_space<hbm>>
          tpu.enqueue_indirect_dma source(%dma_start3A_121 : memref<10000x64xf32, #tpu.memory_space<hbm>>) target(%arg10 : memref<128x64xf32, #tpu.memory_space<vmem>>) offsets(%dma_start3A_118 : memref<128xi32, #tpu.memory_space<vmem>>) semaphore(%arg14 : memref<!tpu.dma_semaphore, #tpu.memory_space<semaphore_mem>>)
        } else {
        }
        %eq3A_111 = arith.constant 1 : i32
        %eq3A_112 = arith.cmpi eq, %arg0, %eq3A_111 : i32
        %convert_element_type3A_113 = arith.extui %eq3A_112 : i1 to i32
        %cond3A_114 = arith.constant 0 : i32
        %cond3A_115 = arith.cmpi ne, %convert_element_type3A_113, %cond3A_114 : i32
        scf.if %cond3A_115 {
          %dma_start3A_116 = arith.constant 0 : i32
          %dma_start3A_117 = tpu.memref_slice %arg8[%add3A_105, %dma_start3A_116] : memref<158x128xi32, #tpu.memory_space<vmem>> -> memref<1x128xi32, #tpu.memory_space<vmem>>
          %dma_start3A_118 = tpu.memref_squeeze %dma_start3A_117 : memref<1x128xi32, #tpu.memory_space<vmem>> -> memref<128xi32, #tpu.memory_space<vmem>>
          %dma_start3A_119 = arith.constant 0 : i32
          %dma_start3A_120 = arith.constant 0 : i32
          %dma_start3A_121 = tpu.memref_slice %arg3[%dma_start3A_119, %dma_start3A_120] : memref<10000x64xf32, #tpu.memory_space<hbm>> -> memref<10000x64xf32, #tpu.memory_space<hbm>>
          tpu.enqueue_indirect_dma source(%dma_start3A_121 : memref<10000x64xf32, #tpu.memory_space<hbm>>) target(%arg10 : memref<128x64xf32, #tpu.memory_space<vmem>>) offsets(%dma_start3A_118 : memref<128xi32, #tpu.memory_space<vmem>>) semaphore(%arg14 : memref<!tpu.dma_semaphore, #tpu.memory_space<semaphore_mem>>)
        } else {
        }
      } else {
      }
      %dma_wait3A_95 = arith.constant 0 : i32
      %dma_wait3A_96 = arith.constant 0 : i32
      %dma_wait3A_97 = tpu.memref_slice %arg8[%dma_wait3A_95, %dma_wait3A_96] : memref<158x128xi32, #tpu.memory_space<vmem>> -> memref<1x128xi32, #tpu.memory_space<vmem>>
      %dma_wait3A_98 = tpu.memref_squeeze %dma_wait3A_97 : memref<1x128xi32, #tpu.memory_space<vmem>> -> memref<128xi32, #tpu.memory_space<vmem>>
      %dma_wait3A_99 = arith.constant 0 : i32
      %dma_wait3A_100 = arith.constant 0 : i32
      %dma_wait3A_101 = tpu.memref_slice %arg2[%dma_wait3A_99, %dma_wait3A_100] : memref<10000x64xf32, #tpu.memory_space<hbm>> -> memref<10000x64xf32, #tpu.memory_space<hbm>>
      tpu.wait_indirect_dma semaphore(%arg15 : memref<!tpu.dma_semaphore, #tpu.memory_space<semaphore_mem>>) src(%dma_wait3A_101 : memref<10000x64xf32, #tpu.memory_space<hbm>>) dst(%arg11 : memref<128x64xf32, #tpu.memory_space<vmem>>)
      %add3A_102 = arith.constant 1 : i32
      %add3A_103 = arith.addi %mul3A_70, %add3A_102 : i32
      "tpu.region"() ({
        %run_scoped3A = tpu.sem_alloc : memref<!tpu.dma_semaphore, #tpu.memory_space<semaphore_mem>>
        %dma_start3A_104 = arith.constant 0 : i32
        %dma_start3A_105 = tpu.memref_slice %arg9[%add3A_103, %dma_start3A_104] : memref<158x128xi32, #tpu.memory_space<vmem>> -> memref<1x128xi32, #tpu.memory_space<vmem>>
        %dma_start3A_106 = tpu.memref_squeeze %dma_start3A_105 : memref<1x128xi32, #tpu.memory_space<vmem>> -> memref<128xi32, #tpu.memory_space<vmem>>
        %dma_start3A_107 = arith.constant 0 : i32
        %dma_start3A_108 = arith.constant 0 : i32
        %dma_start3A_109 = tpu.memref_slice %arg13[%dma_start3A_107, %dma_start3A_108] : memref<10240x64xf32, #tpu.memory_space<vmem_shared>> -> memref<10240x64xf32, #tpu.memory_space<vmem_shared>>
        tpu.enqueue_indirect_dma source(%arg11 : memref<128x64xf32, #tpu.memory_space<vmem>>) target(%dma_start3A_109 : memref<10240x64xf32, #tpu.memory_space<vmem_shared>>) offsets(%dma_start3A_106 : memref<128xi32, #tpu.memory_space<vmem>>) semaphore(%run_scoped3A : memref<!tpu.dma_semaphore, #tpu.memory_space<semaphore_mem>>) {add = true}
        %dma_wait3A_110 = arith.constant 0 : i32
        %dma_wait3A_111 = tpu.memref_slice %arg9[%add3A_103, %dma_wait3A_110] : memref<158x128xi32, #tpu.memory_space<vmem>> -> memref<1x128xi32, #tpu.memory_space<vmem>>
        %dma_wait3A_112 = tpu.memref_squeeze %dma_wait3A_111 : memref<1x128xi32, #tpu.memory_space<vmem>> -> memref<128xi32, #tpu.memory_space<vmem>>
        %dma_wait3A_113 = arith.constant 0 : i32
        %dma_wait3A_114 = arith.constant 0 : i32
        %dma_wait3A_115 = tpu.memref_slice %arg13[%dma_wait3A_113, %dma_wait3A_114] : memref<10240x64xf32, #tpu.memory_space<vmem_shared>> -> memref<10240x64xf32, #tpu.memory_space<vmem_shared>>
        tpu.wait_indirect_dma semaphore(%run_scoped3A : memref<!tpu.dma_semaphore, #tpu.memory_space<semaphore_mem>>) src(%arg11 : memref<128x64xf32, #tpu.memory_space<vmem>>) dst(%dma_wait3A_115 : memref<10240x64xf32, #tpu.memory_space<vmem_shared>>)
        tpu.yield
      }) : () -> ()
    }
    %scan3A_54 = arith.constant 79 : i32
    %barrier3A_55 = arith.constant 0 : index
    tpu.barrier barrier_id(%barrier3A_55)
    %scan3A_56 = arith.constant 0 : i32
    %scan3A_57 = arith.constant 0 : i32
    %scan3A_58 = arith.constant 5 : i32
    %scan3A_59 = arith.addi %scan3A_57, %scan3A_58 : i32
    %scan3A_60 = arith.constant 1 : i32
    scf.for %scan3A_68 = %scan3A_57 to %scan3A_59 step %scan3A_60  : i32 {
      %mul3A_69 = arith.constant 128 : i32
      %mul3A_70 = arith.muli %scan3A_68, %mul3A_69 : i32
      %add3A = arith.addi %mul3A_0, %mul3A_70 : i32
      %mul3A_71 = arith.constant 128 : i32
      %mul3A_72 = arith.muli %scan3A_68, %mul3A_71 : i32
      %add3A_73 = arith.addi %mul3A_0, %mul3A_72 : i32
      %dma_start3A_74 = arith.constant 0 : i32
      %dma_start3A_75 = arith.constant 0 : i32
      %dma_start3A_76 = tpu.memref_slice %arg7[%arg0, %dma_start3A_74, %dma_start3A_75] : memref<2x10240x64xf32, #tpu.memory_space<hbm>> -> memref<1x10240x64xf32, #tpu.memory_space<hbm>>
      %dma_start3A_77 = tpu.memref_squeeze %dma_start3A_76 : memref<1x10240x64xf32, #tpu.memory_space<hbm>> -> memref<10240x64xf32, #tpu.memory_space<hbm>>
      %dma_start3A_78 = arith.constant 0 : i32
      %dma_start3A_79 = tpu.memref_slice %dma_start3A_77[%add3A_73, %dma_start3A_78] : memref<10240x64xf32, #tpu.memory_space<hbm>> -> memref<128x64xf32, #tpu.memory_space<hbm>>
      %dma_start3A_80 = arith.constant 0 : i32
      %dma_start3A_81 = tpu.memref_slice %arg13[%add3A, %dma_start3A_80] : memref<10240x64xf32, #tpu.memory_space<vmem_shared>> -> memref<128x64xf32, #tpu.memory_space<vmem_shared>>
      tpu.enqueue_dma source(%dma_start3A_81 : memref<128x64xf32, #tpu.memory_space<vmem_shared>>) target(%dma_start3A_79 : memref<128x64xf32, #tpu.memory_space<hbm>>) target_semaphore(%arg14 : memref<!tpu.dma_semaphore, #tpu.memory_space<semaphore_mem>>)
    }
    %scan3A_61 = arith.constant 5 : i32
    %scan3A_62 = arith.constant 0 : i32
    %scan3A_63 = arith.constant 0 : i32
    %scan3A_64 = arith.constant 5 : i32
    %scan3A_65 = arith.addi %scan3A_63, %scan3A_64 : i32
    %scan3A_66 = arith.constant 1 : i32
    scf.for %scan3A_68 = %scan3A_63 to %scan3A_65 step %scan3A_66  : i32 {
      %dma_wait3A_69 = arith.constant 0 : i32
      %dma_wait3A_70 = arith.constant 0 : i32
      %dma_wait3A_71 = tpu.memref_slice %arg7[%arg0, %dma_wait3A_69, %dma_wait3A_70] : memref<2x10240x64xf32, #tpu.memory_space<hbm>> -> memref<1x10240x64xf32, #tpu.memory_space<hbm>>
      %dma_wait3A_72 = tpu.memref_squeeze %dma_wait3A_71 : memref<1x10240x64xf32, #tpu.memory_space<hbm>> -> memref<10240x64xf32, #tpu.memory_space<hbm>>
      %dma_wait3A_73 = arith.constant 0 : i32
      %dma_wait3A_74 = tpu.memref_slice %dma_wait3A_72[%mul3A_0, %dma_wait3A_73] : memref<10240x64xf32, #tpu.memory_space<hbm>> -> memref<128x64xf32, #tpu.memory_space<hbm>>
      %dma_wait3A_75 = arith.constant 0 : i32
      %dma_wait3A_76 = tpu.memref_slice %arg13[%mul3A_0, %dma_wait3A_75] : memref<10240x64xf32, #tpu.memory_space<vmem_shared>> -> memref<128x64xf32, #tpu.memory_space<vmem_shared>>
      tpu.wait_dma2 semaphore(%arg14 : memref<!tpu.dma_semaphore, #tpu.memory_space<semaphore_mem>>) src(%dma_wait3A_76 : memref<128x64xf32, #tpu.memory_space<vmem_shared>>) dst(%dma_wait3A_74 : memref<128x64xf32, #tpu.memory_space<hbm>>)
    }
    %scan3A_67 = arith.constant 5 : i32
    return
  }
}

#map = affine_map<(d0, d1) -> (0, 0)>
#map1 = affine_map<(d0, d1) -> (0, 0, 0)>
module attributes {stable_mosaic.version = 14 : i64} {
  func.func @k(%arg0: i32, %arg1: i32, %arg2: memref<10000x64xf32, #tpu.memory_space<hbm>>, %arg3: memref<10000x64xf32, #tpu.memory_space<hbm>>, %arg4: memref<16x158x128xi32, #tpu.memory_space<hbm>>, %arg5: memref<16x158x128xi32, #tpu.memory_space<hbm>>, %arg6: memref<128x64xf32, #tpu.memory_space<hbm>>, %arg7: memref<2x10240x64xf32, #tpu.memory_space<hbm>>, %arg8: memref<158x128xi32, #tpu.memory_space<vmem>>, %arg9: memref<158x128xi32, #tpu.memory_space<vmem>>, %arg10: memref<128x64xf32, #tpu.memory_space<vmem>>, %arg11: memref<128x64xf32, #tpu.memory_space<vmem>>, %arg12: memref<128x64xf32, #tpu.memory_space<vmem>>, %arg13: memref<10240x64xf32, #tpu.memory_space<vmem_shared>>, %arg14: memref<!tpu.dma_semaphore, #tpu.memory_space<semaphore_mem>>, %arg15: memref<!tpu.dma_semaphore, #tpu.memory_space<semaphore_mem>>, %arg16: memref<!tpu.dma_semaphore, #tpu.memory_space<semaphore_mem>>, %arg17: memref<!tpu.dma_semaphore, #tpu.memory_space<semaphore_mem>>) attributes {dimension_semantics = [#tpu.dimension_semantics<core_parallel>, #tpu.dimension_semantics<subcore_parallel>], iteration_bounds = array<i64: 2, 16>, scalar_prefetch = 0 : i64, scratch_operands = 10 : i64, tpu.core_type = #tpu.core_type<sc_vector_subcore>, window_params = [{transform_indices = #map}, {transform_indices = #map}, {transform_indices = #map1}, {transform_indices = #map1}, {transform_indices = #map}, {transform_indices = #map1}]} {
    %mul3A = arith.constant 640 : i32
    %mul3A_0 = arith.muli %arg1, %mul3A : i32
    %dma_start3A = arith.constant 0 : i32
    %dma_start3A_1 = arith.constant 0 : i32
    %dma_start3A_2 = tpu.memref_slice %arg4[%arg1, %dma_start3A, %dma_start3A_1] : memref<16x158x128xi32, #tpu.memory_space<hbm>> -> memref<1x158x128xi32, #tpu.memory_space<hbm>>
    %dma_start3A_3 = tpu.memref_squeeze %dma_start3A_2 : memref<1x158x128xi32, #tpu.memory_space<hbm>> -> memref<158x128xi32, #tpu.memory_space<hbm>>
    %dma_start3A_4 = arith.constant 0 : i32
    %dma_start3A_5 = arith.constant 0 : i32
    %dma_start3A_6 = tpu.memref_slice %arg4[%arg1, %dma_start3A_4, %dma_start3A_5] : memref<16x158x128xi32, #tpu.memory_space<hbm>> -> memref<1x158x128xi32, #tpu.memory_space<hbm>>
    %dma_start3A_7 = tpu.memref_squeeze %dma_start3A_6 : memref<1x158x128xi32, #tpu.memory_space<hbm>> -> memref<158x128xi32, #tpu.memory_space<hbm>>
    tpu.enqueue_dma source(%dma_start3A_7 : memref<158x128xi32, #tpu.memory_space<hbm>>) target(%arg8 : memref<158x128xi32, #tpu.memory_space<vmem>>) target_semaphore(%arg16 : memref<!tpu.dma_semaphore, #tpu.memory_space<semaphore_mem>>)
    %dma_start3A_8 = arith.constant 0 : i32
    %dma_start3A_9 = arith.constant 0 : i32
    %dma_start3A_10 = tpu.memref_slice %arg5[%arg1, %dma_start3A_8, %dma_start3A_9] : memref<16x158x128xi32, #tpu.memory_space<hbm>> -> memref<1x158x128xi32, #tpu.memory_space<hbm>>
    %dma_start3A_11 = tpu.memref_squeeze %dma_start3A_10 : memref<1x158x128xi32, #tpu.memory_space<hbm>> -> memref<158x128xi32, #tpu.memory_space<hbm>>
    %dma_start3A_12 = arith.constant 0 : i32
    %dma_start3A_13 = arith.constant 0 : i32
    %dma_start3A_14 = tpu.memref_slice %arg5[%arg1, %dma_start3A_12, %dma_start3A_13] : memref<16x158x128xi32, #tpu.memory_space<hbm>> -> memref<1x158x128xi32, #tpu.memory_space<hbm>>
    %dma_start3A_15 = tpu.memref_squeeze %dma_start3A_14 : memref<1x158x128xi32, #tpu.memory_space<hbm>> -> memref<158x128xi32, #tpu.memory_space<hbm>>
    tpu.enqueue_dma source(%dma_start3A_15 : memref<158x128xi32, #tpu.memory_space<hbm>>) target(%arg9 : memref<158x128xi32, #tpu.memory_space<vmem>>) target_semaphore(%arg17 : memref<!tpu.dma_semaphore, #tpu.memory_space<semaphore_mem>>)
    "tpu.region"() ({
      %run_scoped3A = tpu.sem_alloc : memref<!tpu.dma_semaphore, #tpu.memory_space<semaphore_mem>>
      tpu.enqueue_dma source(%arg6 : memref<128x64xf32, #tpu.memory_space<hbm>>) target(%arg12 : memref<128x64xf32, #tpu.memory_space<vmem>>) target_semaphore(%run_scoped3A : memref<!tpu.dma_semaphore, #tpu.memory_space<semaphore_mem>>)
      tpu.wait_dma2 semaphore(%run_scoped3A : memref<!tpu.dma_semaphore, #tpu.memory_space<semaphore_mem>>) src(%arg6 : memref<128x64xf32, #tpu.memory_space<hbm>>) dst(%arg12 : memref<128x64xf32, #tpu.memory_space<vmem>>)
      tpu.yield
    }) : () -> ()
    %dma_wait3A = arith.constant 0 : i32
    %dma_wait3A_16 = arith.constant 0 : i32
    %dma_wait3A_17 = tpu.memref_slice %arg4[%arg1, %dma_wait3A, %dma_wait3A_16] : memref<16x158x128xi32, #tpu.memory_space<hbm>> -> memref<1x158x128xi32, #tpu.memory_space<hbm>>
    %dma_wait3A_18 = tpu.memref_squeeze %dma_wait3A_17 : memref<1x158x128xi32, #tpu.memory_space<hbm>> -> memref<158x128xi32, #tpu.memory_space<hbm>>
    %dma_wait3A_19 = arith.constant 0 : i32
    %dma_wait3A_20 = arith.constant 0 : i32
    %dma_wait3A_21 = tpu.memref_slice %arg4[%arg1, %dma_wait3A_19, %dma_wait3A_20] : memref<16x158x128xi32, #tpu.memory_space<hbm>> -> memref<1x158x128xi32, #tpu.memory_space<hbm>>
    %dma_wait3A_22 = tpu.memref_squeeze %dma_wait3A_21 : memref<1x158x128xi32, #tpu.memory_space<hbm>> -> memref<158x128xi32, #tpu.memory_space<hbm>>
    tpu.wait_dma2 semaphore(%arg16 : memref<!tpu.dma_semaphore, #tpu.memory_space<semaphore_mem>>) src(%dma_wait3A_22 : memref<158x128xi32, #tpu.memory_space<hbm>>) dst(%arg8 : memref<158x128xi32, #tpu.memory_space<vmem>>)
    %dma_wait3A_23 = arith.constant 0 : i32
    %dma_wait3A_24 = arith.constant 0 : i32
    %dma_wait3A_25 = tpu.memref_slice %arg5[%arg1, %dma_wait3A_23, %dma_wait3A_24] : memref<16x158x128xi32, #tpu.memory_space<hbm>> -> memref<1x158x128xi32, #tpu.memory_space<hbm>>
    %dma_wait3A_26 = tpu.memref_squeeze %dma_wait3A_25 : memref<1x158x128xi32, #tpu.memory_space<hbm>> -> memref<158x128xi32, #tpu.memory_space<hbm>>
    %dma_wait3A_27 = arith.constant 0 : i32
    %dma_wait3A_28 = arith.constant 0 : i32
    %dma_wait3A_29 = tpu.memref_slice %arg5[%arg1, %dma_wait3A_27, %dma_wait3A_28] : memref<16x158x128xi32, #tpu.memory_space<hbm>> -> memref<1x158x128xi32, #tpu.memory_space<hbm>>
    %dma_wait3A_30 = tpu.memref_squeeze %dma_wait3A_29 : memref<1x158x128xi32, #tpu.memory_space<hbm>> -> memref<158x128xi32, #tpu.memory_space<hbm>>
    tpu.wait_dma2 semaphore(%arg17 : memref<!tpu.dma_semaphore, #tpu.memory_space<semaphore_mem>>) src(%dma_wait3A_30 : memref<158x128xi32, #tpu.memory_space<hbm>>) dst(%arg9 : memref<158x128xi32, #tpu.memory_space<vmem>>)
    %eq3A = arith.constant 0 : i32
    %eq3A_31 = arith.cmpi eq, %arg0, %eq3A : i32
    %convert_element_type3A = arith.extui %eq3A_31 : i1 to i32
    %cond3A = arith.constant 0 : i32
    %cond3A_32 = arith.cmpi ne, %convert_element_type3A, %cond3A : i32
    scf.if %cond3A_32 {
      %dma_start3A_68 = arith.constant 0 : i32
      %dma_start3A_69 = arith.constant 0 : i32
      %dma_start3A_70 = tpu.memref_slice %arg8[%dma_start3A_68, %dma_start3A_69] : memref<158x128xi32, #tpu.memory_space<vmem>> -> memref<1x128xi32, #tpu.memory_space<vmem>>
      %dma_start3A_71 = tpu.memref_squeeze %dma_start3A_70 : memref<1x128xi32, #tpu.memory_space<vmem>> -> memref<128xi32, #tpu.memory_space<vmem>>
      %dma_start3A_72 = arith.constant 0 : i32
      %dma_start3A_73 = arith.constant 0 : i32
      %dma_start3A_74 = tpu.memref_slice %arg2[%dma_start3A_72, %dma_start3A_73] : memref<10000x64xf32, #tpu.memory_space<hbm>> -> memref<10000x64xf32, #tpu.memory_space<hbm>>
      tpu.enqueue_indirect_dma source(%dma_start3A_74 : memref<10000x64xf32, #tpu.memory_space<hbm>>) target(%arg10 : memref<128x64xf32, #tpu.memory_space<vmem>>) offsets(%dma_start3A_71 : memref<128xi32, #tpu.memory_space<vmem>>) semaphore(%arg14 : memref<!tpu.dma_semaphore, #tpu.memory_space<semaphore_mem>>)
    } else {
    }
    %eq3A_33 = arith.constant 1 : i32
    %eq3A_34 = arith.cmpi eq, %arg0, %eq3A_33 : i32
    %convert_element_type3A_35 = arith.extui %eq3A_34 : i1 to i32
    %cond3A_36 = arith.constant 0 : i32
    %cond3A_37 = arith.cmpi ne, %convert_element_type3A_35, %cond3A_36 : i32
    scf.if %cond3A_37 {
      %dma_start3A_68 = arith.constant 0 : i32
      %dma_start3A_69 = arith.constant 0 : i32
      %dma_start3A_70 = tpu.memref_slice %arg8[%dma_start3A_68, %dma_start3A_69] : memref<158x128xi32, #tpu.memory_space<vmem>> -> memref<1x128xi32, #tpu.memory_space<vmem>>
      %dma_start3A_71 = tpu.memref_squeeze %dma_start3A_70 : memref<1x128xi32, #tpu.memory_space<vmem>> -> memref<128xi32, #tpu.memory_space<vmem>>
      %dma_start3A_72 = arith.constant 0 : i32
      %dma_start3A_73 = arith.constant 0 : i32
      %dma_start3A_74 = tpu.memref_slice %arg3[%dma_start3A_72, %dma_start3A_73] : memref<10000x64xf32, #tpu.memory_space<hbm>> -> memref<10000x64xf32, #tpu.memory_space<hbm>>
      tpu.enqueue_indirect_dma source(%dma_start3A_74 : memref<10000x64xf32, #tpu.memory_space<hbm>>) target(%arg10 : memref<128x64xf32, #tpu.memory_space<vmem>>) offsets(%dma_start3A_71 : memref<128xi32, #tpu.memory_space<vmem>>) semaphore(%arg14 : memref<!tpu.dma_semaphore, #tpu.memory_space<semaphore_mem>>)
    } else {
    }
    %scan3A = arith.constant 0 : i32
    %scan3A_38 = arith.constant 0 : i32
    %scan3A_39 = arith.constant 5 : i32
    %scan3A_40 = arith.addi %scan3A_38, %scan3A_39 : i32
    %scan3A_41 = arith.constant 1 : i32
    scf.for %scan3A_68 = %scan3A_38 to %scan3A_40 step %scan3A_41  : i32 {
      %mul3A_69 = arith.constant 128 : i32
      %mul3A_70 = arith.muli %scan3A_68, %mul3A_69 : i32
      %add3A = arith.addi %mul3A_0, %mul3A_70 : i32
      %dma_start3A_71 = arith.constant 0 : i32
      %dma_start3A_72 = tpu.memref_slice %arg13[%add3A, %dma_start3A_71] : memref<10240x64xf32, #tpu.memory_space<vmem_shared>> -> memref<128x64xf32, #tpu.memory_space<vmem_shared>>
      %dma_start3A_73 = arith.constant 0 : i32
      %dma_start3A_74 = tpu.memref_slice %arg13[%add3A, %dma_start3A_73] : memref<10240x64xf32, #tpu.memory_space<vmem_shared>> -> memref<128x64xf32, #tpu.memory_space<vmem_shared>>
      tpu.enqueue_dma source(%arg12 : memref<128x64xf32, #tpu.memory_space<vmem>>) target(%dma_start3A_74 : memref<128x64xf32, #tpu.memory_space<vmem_shared>>) target_semaphore(%arg16 : memref<!tpu.dma_semaphore, #tpu.memory_space<semaphore_mem>>)
    }
    %scan3A_42 = arith.constant 5 : i32
    %scan3A_43 = arith.constant 0 : i32
    %scan3A_44 = arith.constant 0 : i32
    %scan3A_45 = arith.constant 5 : i32
    %scan3A_46 = arith.addi %scan3A_44, %scan3A_45 : i32
    %scan3A_47 = arith.constant 1 : i32
    scf.for %scan3A_68 = %scan3A_44 to %scan3A_46 step %scan3A_47  : i32 {
      %dma_wait3A_69 = arith.constant 0 : i32
      %dma_wait3A_70 = tpu.memref_slice %arg13[%mul3A_0, %dma_wait3A_69] : memref<10240x64xf32, #tpu.memory_space<vmem_shared>> -> memref<128x64xf32, #tpu.memory_space<vmem_shared>>
      %dma_wait3A_71 = arith.constant 0 : i32
      %dma_wait3A_72 = tpu.memref_slice %arg13[%mul3A_0, %dma_wait3A_71] : memref<10240x64xf32, #tpu.memory_space<vmem_shared>> -> memref<128x64xf32, #tpu.memory_space<vmem_shared>>
      tpu.wait_dma2 semaphore(%arg16 : memref<!tpu.dma_semaphore, #tpu.memory_space<semaphore_mem>>) src(%arg12 : memref<128x64xf32, #tpu.memory_space<vmem>>) dst(%dma_wait3A_72 : memref<128x64xf32, #tpu.memory_space<vmem_shared>>)
    }
    %scan3A_48 = arith.constant 5 : i32
    %barrier3A = arith.constant 0 : index
    tpu.barrier barrier_id(%barrier3A)
    %scan3A_49 = arith.constant 0 : i32
    %scan3A_50 = arith.constant 0 : i32
    %scan3A_51 = arith.constant 79 : i32
    %scan3A_52 = arith.addi %scan3A_50, %scan3A_51 : i32
    %scan3A_53 = arith.constant 1 : i32
    scf.for %scan3A_68 = %scan3A_50 to %scan3A_52 step %scan3A_53  : i32 {
      %mul3A_69 = arith.constant 2 : i32
      %mul3A_70 = arith.muli %mul3A_69, %scan3A_68 : i32
      %add3A = arith.constant 1 : i32
      %add3A_71 = arith.addi %mul3A_70, %add3A : i32
      %eq3A_72 = arith.constant 0 : i32
      %eq3A_73 = arith.cmpi eq, %arg0, %eq3A_72 : i32
      %convert_element_type3A_74 = arith.extui %eq3A_73 : i1 to i32
      %cond3A_75 = arith.constant 0 : i32
      %cond3A_76 = arith.cmpi ne, %convert_element_type3A_74, %cond3A_75 : i32
      scf.if %cond3A_76 {
        %dma_start3A_104 = arith.constant 0 : i32
        %dma_start3A_105 = tpu.memref_slice %arg8[%add3A_71, %dma_start3A_104] : memref<158x128xi32, #tpu.memory_space<vmem>> -> memref<1x128xi32, #tpu.memory_space<vmem>>
        %dma_start3A_106 = tpu.memref_squeeze %dma_start3A_105 : memref<1x128xi32, #tpu.memory_space<vmem>> -> memref<128xi32, #tpu.memory_space<vmem>>
        %dma_start3A_107 = arith.constant 0 : i32
        %dma_start3A_108 = arith.constant 0 : i32
        %dma_start3A_109 = tpu.memref_slice %arg2[%dma_start3A_107, %dma_start3A_108] : memref<10000x64xf32, #tpu.memory_space<hbm>> -> memref<10000x64xf32, #tpu.memory_space<hbm>>
        tpu.enqueue_indirect_dma source(%dma_start3A_109 : memref<10000x64xf32, #tpu.memory_space<hbm>>) target(%arg11 : memref<128x64xf32, #tpu.memory_space<vmem>>) offsets(%dma_start3A_106 : memref<128xi32, #tpu.memory_space<vmem>>) semaphore(%arg15 : memref<!tpu.dma_semaphore, #tpu.memory_space<semaphore_mem>>)
      } else {
      }
      %eq3A_77 = arith.constant 1 : i32
      %eq3A_78 = arith.cmpi eq, %arg0, %eq3A_77 : i32
      %convert_element_type3A_79 = arith.extui %eq3A_78 : i1 to i32
      %cond3A_80 = arith.constant 0 : i32
      %cond3A_81 = arith.cmpi ne, %convert_element_type3A_79, %cond3A_80 : i32
      scf.if %cond3A_81 {
        %dma_start3A_104 = arith.constant 0 : i32
        %dma_start3A_105 = tpu.memref_slice %arg8[%add3A_71, %dma_start3A_104] : memref<158x128xi32, #tpu.memory_space<vmem>> -> memref<1x128xi32, #tpu.memory_space<vmem>>
        %dma_start3A_106 = tpu.memref_squeeze %dma_start3A_105 : memref<1x128xi32, #tpu.memory_space<vmem>> -> memref<128xi32, #tpu.memory_space<vmem>>
        %dma_start3A_107 = arith.constant 0 : i32
        %dma_start3A_108 = arith.constant 0 : i32
        %dma_start3A_109 = tpu.memref_slice %arg3[%dma_start3A_107, %dma_start3A_108] : memref<10000x64xf32, #tpu.memory_space<hbm>> -> memref<10000x64xf32, #tpu.memory_space<hbm>>
        tpu.enqueue_indirect_dma source(%dma_start3A_109 : memref<10000x64xf32, #tpu.memory_space<hbm>>) target(%arg11 : memref<128x64xf32, #tpu.memory_space<vmem>>) offsets(%dma_start3A_106 : memref<128xi32, #tpu.memory_space<vmem>>) semaphore(%arg15 : memref<!tpu.dma_semaphore, #tpu.memory_space<semaphore_mem>>)
      } else {
      }
      %dma_wait3A_82 = arith.constant 0 : i32
      %dma_wait3A_83 = arith.constant 0 : i32
      %dma_wait3A_84 = tpu.memref_slice %arg8[%dma_wait3A_82, %dma_wait3A_83] : memref<158x128xi32, #tpu.memory_space<vmem>> -> memref<1x128xi32, #tpu.memory_space<vmem>>
      %dma_wait3A_85 = tpu.memref_squeeze %dma_wait3A_84 : memref<1x128xi32, #tpu.memory_space<vmem>> -> memref<128xi32, #tpu.memory_space<vmem>>
      %dma_wait3A_86 = arith.constant 0 : i32
      %dma_wait3A_87 = arith.constant 0 : i32
      %dma_wait3A_88 = tpu.memref_slice %arg2[%dma_wait3A_86, %dma_wait3A_87] : memref<10000x64xf32, #tpu.memory_space<hbm>> -> memref<10000x64xf32, #tpu.memory_space<hbm>>
      tpu.wait_indirect_dma semaphore(%arg14 : memref<!tpu.dma_semaphore, #tpu.memory_space<semaphore_mem>>) src(%dma_wait3A_88 : memref<10000x64xf32, #tpu.memory_space<hbm>>) dst(%arg10 : memref<128x64xf32, #tpu.memory_space<vmem>>)
      "tpu.region"() ({
        %run_scoped3A = tpu.sem_alloc : memref<!tpu.dma_semaphore, #tpu.memory_space<semaphore_mem>>
        %dma_start3A_104 = arith.constant 0 : i32
        %dma_start3A_105 = tpu.memref_slice %arg9[%mul3A_70, %dma_start3A_104] : memref<158x128xi32, #tpu.memory_space<vmem>> -> memref<1x128xi32, #tpu.memory_space<vmem>>
        %dma_start3A_106 = tpu.memref_squeeze %dma_start3A_105 : memref<1x128xi32, #tpu.memory_space<vmem>> -> memref<128xi32, #tpu.memory_space<vmem>>
        %dma_start3A_107 = arith.constant 0 : i32
        %dma_start3A_108 = arith.constant 0 : i32
        %dma_start3A_109 = tpu.memref_slice %arg13[%dma_start3A_107, %dma_start3A_108] : memref<10240x64xf32, #tpu.memory_space<vmem_shared>> -> memref<10240x64xf32, #tpu.memory_space<vmem_shared>>
        tpu.enqueue_indirect_dma source(%arg10 : memref<128x64xf32, #tpu.memory_space<vmem>>) target(%dma_start3A_109 : memref<10240x64xf32, #tpu.memory_space<vmem_shared>>) offsets(%dma_start3A_106 : memref<128xi32, #tpu.memory_space<vmem>>) semaphore(%run_scoped3A : memref<!tpu.dma_semaphore, #tpu.memory_space<semaphore_mem>>) {add = true}
        %dma_wait3A_110 = arith.constant 0 : i32
        %dma_wait3A_111 = tpu.memref_slice %arg9[%mul3A_70, %dma_wait3A_110] : memref<158x128xi32, #tpu.memory_space<vmem>> -> memref<1x128xi32, #tpu.memory_space<vmem>>
        %dma_wait3A_112 = tpu.memref_squeeze %dma_wait3A_111 : memref<1x128xi32, #tpu.memory_space<vmem>> -> memref<128xi32, #tpu.memory_space<vmem>>
        %dma_wait3A_113 = arith.constant 0 : i32
        %dma_wait3A_114 = arith.constant 0 : i32
        %dma_wait3A_115 = tpu.memref_slice %arg13[%dma_wait3A_113, %dma_wait3A_114] : memref<10240x64xf32, #tpu.memory_space<vmem_shared>> -> memref<10240x64xf32, #tpu.memory_space<vmem_shared>>
        tpu.wait_indirect_dma semaphore(%run_scoped3A : memref<!tpu.dma_semaphore, #tpu.memory_space<semaphore_mem>>) src(%arg10 : memref<128x64xf32, #tpu.memory_space<vmem>>) dst(%dma_wait3A_115 : memref<10240x64xf32, #tpu.memory_space<vmem_shared>>)
        tpu.yield
      }) : () -> ()
      %add3A_89 = arith.constant 2 : i32
      %add3A_90 = arith.addi %mul3A_70, %add3A_89 : i32
      %lt3A = arith.constant 158 : i32
      %lt3A_91 = arith.cmpi slt, %add3A_90, %lt3A : i32
      %convert_element_type3A_92 = arith.extui %lt3A_91 : i1 to i32
      %cond3A_93 = arith.constant 0 : i32
      %cond3A_94 = arith.cmpi ne, %convert_element_type3A_92, %cond3A_93 : i32
      scf.if %cond3A_94 {
        %add3A_104 = arith.constant 2 : i32
        %add3A_105 = arith.addi %mul3A_70, %add3A_104 : i32
        %eq3A_106 = arith.constant 0 : i32
        %eq3A_107 = arith.cmpi eq, %arg0, %eq3A_106 : i32
        %convert_element_type3A_108 = arith.extui %eq3A_107 : i1 to i32
        %cond3A_109 = arith.constant 0 : i32
        %cond3A_110 = arith.cmpi ne, %convert_element_type3A_108, %cond3A_109 : i32
        scf.if %cond3A_110 {
          %dma_start3A_116 = arith.constant 0 : i32
          %dma_start3A_117 = tpu.memref_slice %arg8[%add3A_105, %dma_start3A_116] : memref<158x128xi32, #tpu.memory_space<vmem>> -> memref<1x128xi32, #tpu.memory_space<vmem>>
          %dma_start3A_118 = tpu.memref_squeeze %dma_start3A_117 : memref<1x128xi32, #tpu.memory_space<vmem>> -> memref<128xi32, #tpu.memory_space<vmem>>
          %dma_start3A_119 = arith.constant 0 : i32
          %dma_start3A_120 = arith.constant 0 : i32
          %dma_start3A_121 = tpu.memref_slice %arg2[%dma_start3A_119, %dma_start3A_120] : memref<10000x64xf32, #tpu.memory_space<hbm>> -> memref<10000x64xf32, #tpu.memory_space<hbm>>
          tpu.enqueue_indirect_dma source(%dma_start3A_121 : memref<10000x64xf32, #tpu.memory_space<hbm>>) target(%arg10 : memref<128x64xf32, #tpu.memory_space<vmem>>) offsets(%dma_start3A_118 : memref<128xi32, #tpu.memory_space<vmem>>) semaphore(%arg14 : memref<!tpu.dma_semaphore, #tpu.memory_space<semaphore_mem>>)
        } else {
        }
        %eq3A_111 = arith.constant 1 : i32
        %eq3A_112 = arith.cmpi eq, %arg0, %eq3A_111 : i32
        %convert_element_type3A_113 = arith.extui %eq3A_112 : i1 to i32
        %cond3A_114 = arith.constant 0 : i32
        %cond3A_115 = arith.cmpi ne, %convert_element_type3A_113, %cond3A_114 : i32
        scf.if %cond3A_115 {
          %dma_start3A_116 = arith.constant 0 : i32
          %dma_start3A_117 = tpu.memref_slice %arg8[%add3A_105, %dma_start3A_116] : memref<158x128xi32, #tpu.memory_space<vmem>> -> memref<1x128xi32, #tpu.memory_space<vmem>>
          %dma_start3A_118 = tpu.memref_squeeze %dma_start3A_117 : memref<1x128xi32, #tpu.memory_space<vmem>> -> memref<128xi32, #tpu.memory_space<vmem>>
          %dma_start3A_119 = arith.constant 0 : i32
          %dma_start3A_120 = arith.constant 0 : i32
          %dma_start3A_121 = tpu.memref_slice %arg3[%dma_start3A_119, %dma_start3A_120] : memref<10000x64xf32, #tpu.memory_space<hbm>> -> memref<10000x64xf32, #tpu.memory_space<hbm>>
          tpu.enqueue_indirect_dma source(%dma_start3A_121 : memref<10000x64xf32, #tpu.memory_space<hbm>>) target(%arg10 : memref<128x64xf32, #tpu.memory_space<vmem>>) offsets(%dma_start3A_118 : memref<128xi32, #tpu.memory_space<vmem>>) semaphore(%arg14 : memref<!tpu.dma_semaphore, #tpu.memory_space<semaphore_mem>>)
        } else {
        }
      } else {
      }
      %dma_wait3A_95 = arith.constant 0 : i32
      %dma_wait3A_96 = arith.constant 0 : i32
      %dma_wait3A_97 = tpu.memref_slice %arg8[%dma_wait3A_95, %dma_wait3A_96] : memref<158x128xi32, #tpu.memory_space<vmem>> -> memref<1x128xi32, #tpu.memory_space<vmem>>
      %dma_wait3A_98 = tpu.memref_squeeze %dma_wait3A_97 : memref<1x128xi32, #tpu.memory_space<vmem>> -> memref<128xi32, #tpu.memory_space<vmem>>
      %dma_wait3A_99 = arith.constant 0 : i32
      %dma_wait3A_100 = arith.constant 0 : i32
      %dma_wait3A_101 = tpu.memref_slice %arg2[%dma_wait3A_99, %dma_wait3A_100] : memref<10000x64xf32, #tpu.memory_space<hbm>> -> memref<10000x64xf32, #tpu.memory_space<hbm>>
      tpu.wait_indirect_dma semaphore(%arg15 : memref<!tpu.dma_semaphore, #tpu.memory_space<semaphore_mem>>) src(%dma_wait3A_101 : memref<10000x64xf32, #tpu.memory_space<hbm>>) dst(%arg11 : memref<128x64xf32, #tpu.memory_space<vmem>>)
      %add3A_102 = arith.constant 1 : i32
      %add3A_103 = arith.addi %mul3A_70, %add3A_102 : i32
      "tpu.region"() ({
        %run_scoped3A = tpu.sem_alloc : memref<!tpu.dma_semaphore, #tpu.memory_space<semaphore_mem>>
        %dma_start3A_104 = arith.constant 0 : i32
        %dma_start3A_105 = tpu.memref_slice %arg9[%add3A_103, %dma_start3A_104] : memref<158x128xi32, #tpu.memory_space<vmem>> -> memref<1x128xi32, #tpu.memory_space<vmem>>
        %dma_start3A_106 = tpu.memref_squeeze %dma_start3A_105 : memref<1x128xi32, #tpu.memory_space<vmem>> -> memref<128xi32, #tpu.memory_space<vmem>>
        %dma_start3A_107 = arith.constant 0 : i32
        %dma_start3A_108 = arith.constant 0 : i32
        %dma_start3A_109 = tpu.memref_slice %arg13[%dma_start3A_107, %dma_start3A_108] : memref<10240x64xf32, #tpu.memory_space<vmem_shared>> -> memref<10240x64xf32, #tpu.memory_space<vmem_shared>>
        tpu.enqueue_indirect_dma source(%arg11 : memref<128x64xf32, #tpu.memory_space<vmem>>) target(%dma_start3A_109 : memref<10240x64xf32, #tpu.memory_space<vmem_shared>>) offsets(%dma_start3A_106 : memref<128xi32, #tpu.memory_space<vmem>>) semaphore(%run_scoped3A : memref<!tpu.dma_semaphore, #tpu.memory_space<semaphore_mem>>) {add = true}
        %dma_wait3A_110 = arith.constant 0 : i32
        %dma_wait3A_111 = tpu.memref_slice %arg9[%add3A_103, %dma_wait3A_110] : memref<158x128xi32, #tpu.memory_space<vmem>> -> memref<1x128xi32, #tpu.memory_space<vmem>>
        %dma_wait3A_112 = tpu.memref_squeeze %dma_wait3A_111 : memref<1x128xi32, #tpu.memory_space<vmem>> -> memref<128xi32, #tpu.memory_space<vmem>>
        %dma_wait3A_113 = arith.constant 0 : i32
        %dma_wait3A_114 = arith.constant 0 : i32
        %dma_wait3A_115 = tpu.memref_slice %arg13[%dma_wait3A_113, %dma_wait3A_114] : memref<10240x64xf32, #tpu.memory_space<vmem_shared>> -> memref<10240x64xf32, #tpu.memory_space<vmem_shared>>
        tpu.wait_indirect_dma semaphore(%run_scoped3A : memref<!tpu.dma_semaphore, #tpu.memory_space<semaphore_mem>>) src(%arg11 : memref<128x64xf32, #tpu.memory_space<vmem>>) dst(%dma_wait3A_115 : memref<10240x64xf32, #tpu.memory_space<vmem_shared>>)
        tpu.yield
      }) : () -> ()
    }
    %scan3A_54 = arith.constant 79 : i32
    %barrier3A_55 = arith.constant 0 : index
    tpu.barrier barrier_id(%barrier3A_55)
    %scan3A_56 = arith.constant 0 : i32
    %scan3A_57 = arith.constant 0 : i32
    %scan3A_58 = arith.constant 5 : i32
    %scan3A_59 = arith.addi %scan3A_57, %scan3A_58 : i32
    %scan3A_60 = arith.constant 1 : i32
    scf.for %scan3A_68 = %scan3A_57 to %scan3A_59 step %scan3A_60  : i32 {
      %mul3A_69 = arith.constant 128 : i32
      %mul3A_70 = arith.muli %scan3A_68, %mul3A_69 : i32
      %add3A = arith.addi %mul3A_0, %mul3A_70 : i32
      %mul3A_71 = arith.constant 128 : i32
      %mul3A_72 = arith.muli %scan3A_68, %mul3A_71 : i32
      %add3A_73 = arith.addi %mul3A_0, %mul3A_72 : i32
      %dma_start3A_74 = arith.constant 0 : i32
      %dma_start3A_75 = arith.constant 0 : i32
      %dma_start3A_76 = tpu.memref_slice %arg7[%arg0, %dma_start3A_74, %dma_start3A_75] : memref<2x10240x64xf32, #tpu.memory_space<hbm>> -> memref<1x10240x64xf32, #tpu.memory_space<hbm>>
      %dma_start3A_77 = tpu.memref_squeeze %dma_start3A_76 : memref<1x10240x64xf32, #tpu.memory_space<hbm>> -> memref<10240x64xf32, #tpu.memory_space<hbm>>
      %dma_start3A_78 = arith.constant 0 : i32
      %dma_start3A_79 = tpu.memref_slice %dma_start3A_77[%add3A_73, %dma_start3A_78] : memref<10240x64xf32, #tpu.memory_space<hbm>> -> memref<128x64xf32, #tpu.memory_space<hbm>>
      %dma_start3A_80 = arith.constant 0 : i32
      %dma_start3A_81 = tpu.memref_slice %arg13[%add3A, %dma_start3A_80] : memref<10240x64xf32, #tpu.memory_space<vmem_shared>> -> memref<128x64xf32, #tpu.memory_space<vmem_shared>>
      tpu.enqueue_dma source(%dma_start3A_81 : memref<128x64xf32, #tpu.memory_space<vmem_shared>>) target(%dma_start3A_79 : memref<128x64xf32, #tpu.memory_space<hbm>>) target_semaphore(%arg14 : memref<!tpu.dma_semaphore, #tpu.memory_space<semaphore_mem>>)
    }
    %scan3A_61 = arith.constant 5 : i32
    %scan3A_62 = arith.constant 0 : i32
    %scan3A_63 = arith.constant 0 : i32
    %scan3A_64 = arith.constant 5 : i32
    %scan3A_65 = arith.addi %scan3A_63, %scan3A_64 : i32
    %scan3A_66 = arith.constant 1 : i32
    scf.for %scan3A_68 = %scan3A_63 to %scan3A_65 step %scan3A_66  : i32 {
      %dma_wait3A_69 = arith.constant 0 : i32
      %dma_wait3A_70 = arith.constant 0 : i32
      %dma_wait3A_71 = tpu.memref_slice %arg7[%arg0, %dma_wait3A_69, %dma_wait3A_70] : memref<2x10240x64xf32, #tpu.memory_space<hbm>> -> memref<1x10240x64xf32, #tpu.memory_space<hbm>>
      %dma_wait3A_72 = tpu.memref_squeeze %dma_wait3A_71 : memref<1x10240x64xf32, #tpu.memory_space<hbm>> -> memref<10240x64xf32, #tpu.memory_space<hbm>>
      %dma_wait3A_73 = arith.constant 0 : i32
      %dma_wait3A_74 = tpu.memref_slice %dma_wait3A_72[%mul3A_0, %dma_wait3A_73] : memref<10240x64xf32, #tpu.memory_space<hbm>> -> memref<128x64xf32, #tpu.memory_space<hbm>>
      %dma_wait3A_75 = arith.constant 0 : i32
      %dma_wait3A_76 = tpu.memref_slice %arg13[%mul3A_0, %dma_wait3A_75] : memref<10240x64xf32, #tpu.memory_space<vmem_shared>> -> memref<128x64xf32, #tpu.memory_space<vmem_shared>>
      tpu.wait_dma2 semaphore(%arg14 : memref<!tpu.dma_semaphore, #tpu.memory_space<semaphore_mem>>) src(%dma_wait3A_76 : memref<128x64xf32, #tpu.memory_space<vmem_shared>>) dst(%dma_wait3A_74 : memref<128x64xf32, #tpu.memory_space<hbm>>)
    }
    %scan3A_67 = arith.constant 5 : i32
    return
  }
}

module attributes {stable_mosaic.version = 14 : i64} {
  func.func @_mm_split_body(%arg0: i32, %arg1: memref<1000x128xf32, #tpu.memory_space<vmem>>, %arg2: memref<128x128xf32, #tpu.memory_space<vmem>>, %arg3: memref<1000x64xf32, #tpu.memory_space<vmem>>, %arg4: memref<1000x64xf32, #tpu.memory_space<vmem>>) attributes {dimension_semantics = [#tpu.dimension_semantics<arbitrary>], iteration_bounds = array<i64: 10>, scalar_prefetch = 0 : i64, scratch_operands = 0 : i64, tpu.core_type = #tpu.core_type<tc>, window_params = [{transform_indices = @transform_0, window_bounds = array<i64: 1000, 128>}, {pipeline_mode = #tpu.pipeline_mode<synchronous>, transform_indices = @transform_1, window_bounds = array<i64: 128, 128>}, {transform_indices = @transform_2, window_bounds = array<i64: 1000, 64>}, {transform_indices = @transform_3, window_bounds = array<i64: 1000, 64>}]} {
    %get3A = arith.constant 0 : index
    %get3A_0 = arith.constant 0 : index
    %get3A_1 = vector.load %arg1[%get3A, %get3A_0] : memref<1000x128xf32, #tpu.memory_space<vmem>>, vector<1000x128xf32>
    %get3A_2 = arith.constant 0 : index
    %get3A_3 = arith.constant 0 : index
    %get3A_4 = vector.load %arg2[%get3A_2, %get3A_3] : memref<128x128xf32, #tpu.memory_space<vmem>>, vector<128x128xf32>
    %dot_general3A = arith.constant dense<0.000000e+00> : vector<1000x128xf32>
    %dot_general3A_5 = tpu.matmul %get3A_1, %get3A_4, %dot_general3A {dimension_numbers = #tpu.dot_dimension_numbers<[1], [0], [0], [1], [0, 0, 1, 1], [], []>, transpose_lhs_hint = false} : vector<1000x128xf32>, vector<128x128xf32>, vector<1000x128xf32> -> vector<1000x128xf32>
    %slice3A = vector.extract_strided_slice %dot_general3A_5 {offsets = [0, 0], sizes = [1000, 64], strides = [1, 1]} : vector<1000x128xf32> to vector<1000x64xf32>
    %swap3A = arith.constant 0 : index
    %swap3A_6 = arith.constant 0 : index
    %swap3A_7 = vector.load %arg3[%swap3A, %swap3A_6] : memref<1000x64xf32, #tpu.memory_space<vmem>>, vector<1000x64xf32>
    tpu.vector_store %arg3[%swap3A, %swap3A_6], %slice3A {strides = array<i32>} : memref<1000x64xf32, #tpu.memory_space<vmem>>, vector<1000x64xf32>,
    %slice3A_8 = vector.extract_strided_slice %dot_general3A_5 {offsets = [0, 64], sizes = [1000, 64], strides = [1, 1]} : vector<1000x128xf32> to vector<1000x64xf32>
    %swap3A_9 = arith.constant 0 : index
    %swap3A_10 = arith.constant 0 : index
    %swap3A_11 = vector.load %arg4[%swap3A_9, %swap3A_10] : memref<1000x64xf32, #tpu.memory_space<vmem>>, vector<1000x64xf32>
    tpu.vector_store %arg4[%swap3A_9, %swap3A_10], %slice3A_8 {strides = array<i32>} : memref<1000x64xf32, #tpu.memory_space<vmem>>, vector<1000x64xf32>,
    return
  }
  func.func @transform_0(%arg0: i32) -> (i32, i32) {
    %c0_i32 = arith.constant 0 : i32
    %c0_i32_0 = arith.constant 0 : i32
    return %arg0, %c0_i32 : i32, i32
  }
  func.func @transform_1(%arg0: i32) -> (i32, i32) {
    %c0_i32 = arith.constant 0 : i32
    %c0_i32_0 = arith.constant 0 : i32
    %c0_i32_1 = arith.constant 0 : i32
    return %c0_i32, %c0_i32_0 : i32, i32
  }
  func.func @transform_2(%arg0: i32) -> (i32, i32) {
    %c0_i32 = arith.constant 0 : i32
    %c0_i32_0 = arith.constant 0 : i32
    return %arg0, %c0_i32 : i32, i32
  }
  func.func @transform_3(%arg0: i32) -> (i32, i32) {
    %c0_i32 = arith.constant 0 : i32
    %c0_i32_0 = arith.constant 0 : i32
    return %arg0, %c0_i32 : i32, i32
  }
}

module attributes {stable_mosaic.version = 14 : i64} {
  func.func @_gru_m_body(%arg0: i32, %arg1: memref<2x1000x64xf32, #tpu.memory_space<vmem>>, %arg2: memref<1000x128xf32, #tpu.memory_space<vmem>>, %arg3: memref<128x384xf32, #tpu.memory_space<vmem>>, %arg4: memref<128x384xf32, #tpu.memory_space<vmem>>, %arg5: memref<1x384xf32, #tpu.memory_space<vmem>>, %arg6: memref<1x384xf32, #tpu.memory_space<vmem>>, %arg7: memref<128x128xf32, #tpu.memory_space<vmem>>, %arg8: memref<1000x128xf32, #tpu.memory_space<vmem>>, %arg9: memref<1000x64xf32, #tpu.memory_space<vmem>>, %arg10: memref<1000x64xf32, #tpu.memory_space<vmem>>) attributes {dimension_semantics = [#tpu.dimension_semantics<arbitrary>], iteration_bounds = array<i64: 10>, scalar_prefetch = 0 : i64, scratch_operands = 0 : i64, tpu.core_type = #tpu.core_type<tc>, window_params = [{transform_indices = @transform_0, window_bounds = array<i64: 2, 1000, 64>}, {transform_indices = @transform_1, window_bounds = array<i64: 1000, 128>}, {pipeline_mode = #tpu.pipeline_mode<synchronous>, transform_indices = @transform_2, window_bounds = array<i64: 128, 384>}, {pipeline_mode = #tpu.pipeline_mode<synchronous>, transform_indices = @transform_3, window_bounds = array<i64: 128, 384>}, {pipeline_mode = #tpu.pipeline_mode<synchronous>, transform_indices = @transform_4, window_bounds = array<i64: 1, 384>}, {pipeline_mode = #tpu.pipeline_mode<synchronous>, transform_indices = @transform_5, window_bounds = array<i64: 1, 384>}, {pipeline_mode = #tpu.pipeline_mode<synchronous>, transform_indices = @transform_6, window_bounds = array<i64: 128, 128>}, {transform_indices = @transform_7, window_bounds = array<i64: 1000, 128>}, {transform_indices = @transform_8, window_bounds = array<i64: 1000, 64>}, {transform_indices = @transform_9, window_bounds = array<i64: 1000, 64>}]} {
    %get3A = arith.constant 0 : index
    %get3A_0 = arith.constant 0 : index
    %get3A_1 = arith.constant 0 : index
    %get3A_2 = vector.load %arg1[%get3A, %get3A_0, %get3A_1] : memref<2x1000x64xf32, #tpu.memory_space<vmem>>, vector<1x1000x64xf32>
    %get3A_3 = vector.shape_cast %get3A_2 : vector<1x1000x64xf32> to vector<1000x64xf32>
    %get3A_4 = arith.constant 1 : index
    %get3A_5 = arith.constant 0 : index
    %get3A_6 = arith.constant 0 : index
    %get3A_7 = vector.load %arg1[%get3A_4, %get3A_5, %get3A_6] : memref<2x1000x64xf32, #tpu.memory_space<vmem>>, vector<1x1000x64xf32>
    %get3A_8 = vector.shape_cast %get3A_7 : vector<1x1000x64xf32> to vector<1000x64xf32>
    %concatenate3A = tpu.concatenate %get3A_3, %get3A_8 in 1 : vector<1000x64xf32>, vector<1000x64xf32> -> vector<1000x128xf32>
    %get3A_9 = arith.constant 0 : index
    %get3A_10 = arith.constant 0 : index
    %get3A_11 = vector.load %arg2[%get3A_9, %get3A_10] : memref<1000x128xf32, #tpu.memory_space<vmem>>, vector<1000x128xf32>
    %get3A_12 = arith.constant 0 : index
    %get3A_13 = arith.constant 0 : index
    %get3A_14 = vector.load %arg3[%get3A_12, %get3A_13] : memref<128x384xf32, #tpu.memory_space<vmem>>, vector<128x384xf32>
    %dot_general3A = arith.constant dense<0.000000e+00> : vector<1000x384xf32>
    %dot_general3A_15 = tpu.matmul %concatenate3A, %get3A_14, %dot_general3A {dimension_numbers = #tpu.dot_dimension_numbers<[1], [0], [0], [1], [0, 0, 1, 1], [], []>, transpose_lhs_hint = false} : vector<1000x128xf32>, vector<128x384xf32>, vector<1000x384xf32> -> vector<1000x384xf32>
    %get3A_16 = arith.constant 0 : index
    %get3A_17 = arith.constant 0 : index
    %get3A_18 = vector.load %arg5[%get3A_16, %get3A_17] : memref<1x384xf32, #tpu.memory_space<vmem>>, vector<1x384xf32>
    %add3A = vector.broadcast %get3A_18 : vector<1x384xf32> to vector<1000x384xf32>
    %add3A_19 = arith.addf %dot_general3A_15, %add3A : vector<1000x384xf32>
    %get3A_20 = arith.constant 0 : index
    %get3A_21 = arith.constant 0 : index
    %get3A_22 = vector.load %arg4[%get3A_20, %get3A_21] : memref<128x384xf32, #tpu.memory_space<vmem>>, vector<128x384xf32>
    %dot_general3A_23 = arith.constant dense<0.000000e+00> : vector<1000x384xf32>
    %dot_general3A_24 = tpu.matmul %get3A_11, %get3A_22, %dot_general3A_23 {dimension_numbers = #tpu.dot_dimension_numbers<[1], [0], [0], [1], [0, 0, 1, 1], [], []>, transpose_lhs_hint = false} : vector<1000x128xf32>, vector<128x384xf32>, vector<1000x384xf32> -> vector<1000x384xf32>
    %get3A_25 = arith.constant 0 : index
    %get3A_26 = arith.constant 0 : index
    %get3A_27 = vector.load %arg6[%get3A_25, %get3A_26] : memref<1x384xf32, #tpu.memory_space<vmem>>, vector<1x384xf32>
    %add3A_28 = vector.broadcast %get3A_27 : vector<1x384xf32> to vector<1000x384xf32>
    %add3A_29 = arith.addf %dot_general3A_24, %add3A_28 : vector<1000x384xf32>
    %slice3A = vector.extract_strided_slice %add3A_19 {offsets = [0, 0], sizes = [1000, 128], strides = [1, 1]} : vector<1000x384xf32> to vector<1000x128xf32>
    %slice3A_30 = vector.extract_strided_slice %add3A_29 {offsets = [0, 0], sizes = [1000, 128], strides = [1, 1]} : vector<1000x384xf32> to vector<1000x128xf32>
    %add3A_31 = arith.addf %slice3A, %slice3A_30 : vector<1000x128xf32>
    %logistic3A = arith.negf %add3A_31 : vector<1000x128xf32>
    %logistic3A_32 = math.exp %logistic3A : vector<1000x128xf32>
    %logistic3A_33 = arith.constant 1.000000e+00 : f32
    %logistic3A_34 = vector.broadcast %logistic3A_33 : f32 to vector<1000x128xf32>
    %logistic3A_35 = arith.addf %logistic3A_34, %logistic3A_32 : vector<1000x128xf32>
    %logistic3A_36 = arith.divf %logistic3A_34, %logistic3A_35 : vector<1000x128xf32>
    %slice3A_37 = vector.extract_strided_slice %add3A_19 {offsets = [0, 128], sizes = [1000, 128], strides = [1, 1]} : vector<1000x384xf32> to vector<1000x128xf32>
    %slice3A_38 = vector.extract_strided_slice %add3A_29 {offsets = [0, 128], sizes = [1000, 128], strides = [1, 1]} : vector<1000x384xf32> to vector<1000x128xf32>
    %add3A_39 = arith.addf %slice3A_37, %slice3A_38 : vector<1000x128xf32>
    %logistic3A_40 = arith.negf %add3A_39 : vector<1000x128xf32>
    %logistic3A_41 = math.exp %logistic3A_40 : vector<1000x128xf32>
    %logistic3A_42 = arith.constant 1.000000e+00 : f32
    %logistic3A_43 = vector.broadcast %logistic3A_42 : f32 to vector<1000x128xf32>
    %logistic3A_44 = arith.addf %logistic3A_43, %logistic3A_41 : vector<1000x128xf32>
    %logistic3A_45 = arith.divf %logistic3A_43, %logistic3A_44 : vector<1000x128xf32>
    %slice3A_46 = vector.extract_strided_slice %add3A_19 {offsets = [0, 256], sizes = [1000, 128], strides = [1, 1]} : vector<1000x384xf32> to vector<1000x128xf32>
    %slice3A_47 = vector.extract_strided_slice %add3A_29 {offsets = [0, 256], sizes = [1000, 128], strides = [1, 1]} : vector<1000x384xf32> to vector<1000x128xf32>
    %mul3A = arith.mulf %logistic3A_36, %slice3A_47 : vector<1000x128xf32>
    %add3A_48 = arith.addf %slice3A_46, %mul3A : vector<1000x128xf32>
    %tanh3A = math.tanh %add3A_48 : vector<1000x128xf32>
    %sub3A = arith.constant 1.000000e+00 : f32
    %sub3A_49 = vector.broadcast %sub3A : f32 to vector<1000x128xf32>
    %sub3A_50 = arith.subf %sub3A_49, %logistic3A_45 : vector<1000x128xf32>
    %mul3A_51 = arith.mulf %sub3A_50, %tanh3A : vector<1000x128xf32>
    %mul3A_52 = arith.mulf %logistic3A_45, %get3A_11 : vector<1000x128xf32>
    %add3A_53 = arith.addf %mul3A_51, %mul3A_52 : vector<1000x128xf32>
    %swap3A = arith.constant 0 : index
    %swap3A_54 = arith.constant 0 : index
    %swap3A_55 = vector.load %arg8[%swap3A, %swap3A_54] : memref<1000x128xf32, #tpu.memory_space<vmem>>, vector<1000x128xf32>
    tpu.vector_store %arg8[%swap3A, %swap3A_54], %add3A_53 {strides = array<i32>} : memref<1000x128xf32, #tpu.memory_space<vmem>>, vector<1000x128xf32>,
    %get3A_56 = arith.constant 0 : index
    %get3A_57 = arith.constant 0 : index
    %get3A_58 = vector.load %arg7[%get3A_56, %get3A_57] : memref<128x128xf32, #tpu.memory_space<vmem>>, vector<128x128xf32>
    %dot_general3A_59 = arith.constant dense<0.000000e+00> : vector<1000x128xf32>
    %dot_general3A_60 = tpu.matmul %add3A_53, %get3A_58, %dot_general3A_59 {dimension_numbers = #tpu.dot_dimension_numbers<[1], [0], [0], [1], [0, 0, 1, 1], [], []>, transpose_lhs_hint = false} : vector<1000x128xf32>, vector<128x128xf32>, vector<1000x128xf32> -> vector<1000x128xf32>
    %slice3A_61 = vector.extract_strided_slice %dot_general3A_60 {offsets = [0, 0], sizes = [1000, 64], strides = [1, 1]} : vector<1000x128xf32> to vector<1000x64xf32>
    %swap3A_62 = arith.constant 0 : index
    %swap3A_63 = arith.constant 0 : index
    %swap3A_64 = vector.load %arg9[%swap3A_62, %swap3A_63] : memref<1000x64xf32, #tpu.memory_space<vmem>>, vector<1000x64xf32>
    tpu.vector_store %arg9[%swap3A_62, %swap3A_63], %slice3A_61 {strides = array<i32>} : memref<1000x64xf32, #tpu.memory_space<vmem>>, vector<1000x64xf32>,
    %slice3A_65 = vector.extract_strided_slice %dot_general3A_60 {offsets = [0, 64], sizes = [1000, 64], strides = [1, 1]} : vector<1000x128xf32> to vector<1000x64xf32>
    %swap3A_66 = arith.constant 0 : index
    %swap3A_67 = arith.constant 0 : index
    %swap3A_68 = vector.load %arg10[%swap3A_66, %swap3A_67] : memref<1000x64xf32, #tpu.memory_space<vmem>>, vector<1000x64xf32>
    tpu.vector_store %arg10[%swap3A_66, %swap3A_67], %slice3A_65 {strides = array<i32>} : memref<1000x64xf32, #tpu.memory_space<vmem>>, vector<1000x64xf32>,
    return
  }
  func.func @transform_0(%arg0: i32) -> (i32, i32, i32) {
    %c0_i32 = arith.constant 0 : i32
    %c0_i32_0 = arith.constant 0 : i32
    %c0_i32_1 = arith.constant 0 : i32
    return %c0_i32, %arg0, %c0_i32_0 : i32, i32, i32
  }
  func.func @transform_1(%arg0: i32) -> (i32, i32) {
    %c0_i32 = arith.constant 0 : i32
    %c0_i32_0 = arith.constant 0 : i32
    return %arg0, %c0_i32 : i32, i32
  }
  func.func @transform_2(%arg0: i32) -> (i32, i32) {
    %c0_i32 = arith.constant 0 : i32
    %c0_i32_0 = arith.constant 0 : i32
    %c0_i32_1 = arith.constant 0 : i32
    return %c0_i32, %c0_i32_0 : i32, i32
  }
  func.func @transform_3(%arg0: i32) -> (i32, i32) {
    %c0_i32 = arith.constant 0 : i32
    %c0_i32_0 = arith.constant 0 : i32
    %c0_i32_1 = arith.constant 0 : i32
    return %c0_i32, %c0_i32_0 : i32, i32
  }
  func.func @transform_4(%arg0: i32) -> (i32, i32) {
    %c0_i32 = arith.constant 0 : i32
    %c0_i32_0 = arith.constant 0 : i32
    %c0_i32_1 = arith.constant 0 : i32
    return %c0_i32, %c0_i32_0 : i32, i32
  }
  func.func @transform_5(%arg0: i32) -> (i32, i32) {
    %c0_i32 = arith.constant 0 : i32
    %c0_i32_0 = arith.constant 0 : i32
    %c0_i32_1 = arith.constant 0 : i32
    return %c0_i32, %c0_i32_0 : i32, i32
  }
  func.func @transform_6(%arg0: i32) -> (i32, i32) {
    %c0_i32 = arith.constant 0 : i32
    %c0_i32_0 = arith.constant 0 : i32
    %c0_i32_1 = arith.constant 0 : i32
    return %c0_i32, %c0_i32_0 : i32, i32
  }
  func.func @transform_7(%arg0: i32) -> (i32, i32) {
    %c0_i32 = arith.constant 0 : i32
    %c0_i32_0 = arith.constant 0 : i32
    return %arg0, %c0_i32 : i32, i32
  }
  func.func @transform_8(%arg0: i32) -> (i32, i32) {
    %c0_i32 = arith.constant 0 : i32
    %c0_i32_0 = arith.constant 0 : i32
    return %arg0, %c0_i32 : i32, i32
  }
  func.func @transform_9(%arg0: i32) -> (i32, i32) {
    %c0_i32 = arith.constant 0 : i32
    %c0_i32_0 = arith.constant 0 : i32
    return %arg0, %c0_i32 : i32, i32
  }
}

module attributes {stable_mosaic.version = 14 : i64} {
  func.func @_gru_body(%arg0: i32, %arg1: memref<2x1000x64xf32, #tpu.memory_space<vmem>>, %arg2: memref<1000x128xf32, #tpu.memory_space<vmem>>, %arg3: memref<128x384xf32, #tpu.memory_space<vmem>>, %arg4: memref<128x384xf32, #tpu.memory_space<vmem>>, %arg5: memref<1x384xf32, #tpu.memory_space<vmem>>, %arg6: memref<1x384xf32, #tpu.memory_space<vmem>>, %arg7: memref<1000x128xf32, #tpu.memory_space<vmem>>) attributes {dimension_semantics = [#tpu.dimension_semantics<arbitrary>], iteration_bounds = array<i64: 10>, scalar_prefetch = 0 : i64, scratch_operands = 0 : i64, tpu.core_type = #tpu.core_type<tc>, window_params = [{transform_indices = @transform_0, window_bounds = array<i64: 2, 1000, 64>}, {transform_indices = @transform_1, window_bounds = array<i64: 1000, 128>}, {pipeline_mode = #tpu.pipeline_mode<synchronous>, transform_indices = @transform_2, window_bounds = array<i64: 128, 384>}, {pipeline_mode = #tpu.pipeline_mode<synchronous>, transform_indices = @transform_3, window_bounds = array<i64: 128, 384>}, {pipeline_mode = #tpu.pipeline_mode<synchronous>, transform_indices = @transform_4, window_bounds = array<i64: 1, 384>}, {pipeline_mode = #tpu.pipeline_mode<synchronous>, transform_indices = @transform_5, window_bounds = array<i64: 1, 384>}, {transform_indices = @transform_6, window_bounds = array<i64: 1000, 128>}]} {
    %get3A = arith.constant 0 : index
    %get3A_0 = arith.constant 0 : index
    %get3A_1 = arith.constant 0 : index
    %get3A_2 = vector.load %arg1[%get3A, %get3A_0, %get3A_1] : memref<2x1000x64xf32, #tpu.memory_space<vmem>>, vector<1x1000x64xf32>
    %get3A_3 = vector.shape_cast %get3A_2 : vector<1x1000x64xf32> to vector<1000x64xf32>
    %get3A_4 = arith.constant 1 : index
    %get3A_5 = arith.constant 0 : index
    %get3A_6 = arith.constant 0 : index
    %get3A_7 = vector.load %arg1[%get3A_4, %get3A_5, %get3A_6] : memref<2x1000x64xf32, #tpu.memory_space<vmem>>, vector<1x1000x64xf32>
    %get3A_8 = vector.shape_cast %get3A_7 : vector<1x1000x64xf32> to vector<1000x64xf32>
    %concatenate3A = tpu.concatenate %get3A_3, %get3A_8 in 1 : vector<1000x64xf32>, vector<1000x64xf32> -> vector<1000x128xf32>
    %get3A_9 = arith.constant 0 : index
    %get3A_10 = arith.constant 0 : index
    %get3A_11 = vector.load %arg2[%get3A_9, %get3A_10] : memref<1000x128xf32, #tpu.memory_space<vmem>>, vector<1000x128xf32>
    %get3A_12 = arith.constant 0 : index
    %get3A_13 = arith.constant 0 : index
    %get3A_14 = vector.load %arg3[%get3A_12, %get3A_13] : memref<128x384xf32, #tpu.memory_space<vmem>>, vector<128x384xf32>
    %dot_general3A = arith.constant dense<0.000000e+00> : vector<1000x384xf32>
    %dot_general3A_15 = tpu.matmul %concatenate3A, %get3A_14, %dot_general3A {dimension_numbers = #tpu.dot_dimension_numbers<[1], [0], [0], [1], [0, 0, 1, 1], [], []>, transpose_lhs_hint = false} : vector<1000x128xf32>, vector<128x384xf32>, vector<1000x384xf32> -> vector<1000x384xf32>
    %get3A_16 = arith.constant 0 : index
    %get3A_17 = arith.constant 0 : index
    %get3A_18 = vector.load %arg5[%get3A_16, %get3A_17] : memref<1x384xf32, #tpu.memory_space<vmem>>, vector<1x384xf32>
    %add3A = vector.broadcast %get3A_18 : vector<1x384xf32> to vector<1000x384xf32>
    %add3A_19 = arith.addf %dot_general3A_15, %add3A : vector<1000x384xf32>
    %get3A_20 = arith.constant 0 : index
    %get3A_21 = arith.constant 0 : index
    %get3A_22 = vector.load %arg4[%get3A_20, %get3A_21] : memref<128x384xf32, #tpu.memory_space<vmem>>, vector<128x384xf32>
    %dot_general3A_23 = arith.constant dense<0.000000e+00> : vector<1000x384xf32>
    %dot_general3A_24 = tpu.matmul %get3A_11, %get3A_22, %dot_general3A_23 {dimension_numbers = #tpu.dot_dimension_numbers<[1], [0], [0], [1], [0, 0, 1, 1], [], []>, transpose_lhs_hint = false} : vector<1000x128xf32>, vector<128x384xf32>, vector<1000x384xf32> -> vector<1000x384xf32>
    %get3A_25 = arith.constant 0 : index
    %get3A_26 = arith.constant 0 : index
    %get3A_27 = vector.load %arg6[%get3A_25, %get3A_26] : memref<1x384xf32, #tpu.memory_space<vmem>>, vector<1x384xf32>
    %add3A_28 = vector.broadcast %get3A_27 : vector<1x384xf32> to vector<1000x384xf32>
    %add3A_29 = arith.addf %dot_general3A_24, %add3A_28 : vector<1000x384xf32>
    %slice3A = vector.extract_strided_slice %add3A_19 {offsets = [0, 0], sizes = [1000, 128], strides = [1, 1]} : vector<1000x384xf32> to vector<1000x128xf32>
    %slice3A_30 = vector.extract_strided_slice %add3A_29 {offsets = [0, 0], sizes = [1000, 128], strides = [1, 1]} : vector<1000x384xf32> to vector<1000x128xf32>
    %add3A_31 = arith.addf %slice3A, %slice3A_30 : vector<1000x128xf32>
    %logistic3A = arith.negf %add3A_31 : vector<1000x128xf32>
    %logistic3A_32 = math.exp %logistic3A : vector<1000x128xf32>
    %logistic3A_33 = arith.constant 1.000000e+00 : f32
    %logistic3A_34 = vector.broadcast %logistic3A_33 : f32 to vector<1000x128xf32>
    %logistic3A_35 = arith.addf %logistic3A_34, %logistic3A_32 : vector<1000x128xf32>
    %logistic3A_36 = arith.divf %logistic3A_34, %logistic3A_35 : vector<1000x128xf32>
    %slice3A_37 = vector.extract_strided_slice %add3A_19 {offsets = [0, 128], sizes = [1000, 128], strides = [1, 1]} : vector<1000x384xf32> to vector<1000x128xf32>
    %slice3A_38 = vector.extract_strided_slice %add3A_29 {offsets = [0, 128], sizes = [1000, 128], strides = [1, 1]} : vector<1000x384xf32> to vector<1000x128xf32>
    %add3A_39 = arith.addf %slice3A_37, %slice3A_38 : vector<1000x128xf32>
    %logistic3A_40 = arith.negf %add3A_39 : vector<1000x128xf32>
    %logistic3A_41 = math.exp %logistic3A_40 : vector<1000x128xf32>
    %logistic3A_42 = arith.constant 1.000000e+00 : f32
    %logistic3A_43 = vector.broadcast %logistic3A_42 : f32 to vector<1000x128xf32>
    %logistic3A_44 = arith.addf %logistic3A_43, %logistic3A_41 : vector<1000x128xf32>
    %logistic3A_45 = arith.divf %logistic3A_43, %logistic3A_44 : vector<1000x128xf32>
    %slice3A_46 = vector.extract_strided_slice %add3A_19 {offsets = [0, 256], sizes = [1000, 128], strides = [1, 1]} : vector<1000x384xf32> to vector<1000x128xf32>
    %slice3A_47 = vector.extract_strided_slice %add3A_29 {offsets = [0, 256], sizes = [1000, 128], strides = [1, 1]} : vector<1000x384xf32> to vector<1000x128xf32>
    %mul3A = arith.mulf %logistic3A_36, %slice3A_47 : vector<1000x128xf32>
    %add3A_48 = arith.addf %slice3A_46, %mul3A : vector<1000x128xf32>
    %tanh3A = math.tanh %add3A_48 : vector<1000x128xf32>
    %sub3A = arith.constant 1.000000e+00 : f32
    %sub3A_49 = vector.broadcast %sub3A : f32 to vector<1000x128xf32>
    %sub3A_50 = arith.subf %sub3A_49, %logistic3A_45 : vector<1000x128xf32>
    %mul3A_51 = arith.mulf %sub3A_50, %tanh3A : vector<1000x128xf32>
    %mul3A_52 = arith.mulf %logistic3A_45, %get3A_11 : vector<1000x128xf32>
    %add3A_53 = arith.addf %mul3A_51, %mul3A_52 : vector<1000x128xf32>
    %swap3A = arith.constant 0 : index
    %swap3A_54 = arith.constant 0 : index
    %swap3A_55 = vector.load %arg7[%swap3A, %swap3A_54] : memref<1000x128xf32, #tpu.memory_space<vmem>>, vector<1000x128xf32>
    tpu.vector_store %arg7[%swap3A, %swap3A_54], %add3A_53 {strides = array<i32>} : memref<1000x128xf32, #tpu.memory_space<vmem>>, vector<1000x128xf32>,
    return
  }
  func.func @transform_0(%arg0: i32) -> (i32, i32, i32) {
    %c0_i32 = arith.constant 0 : i32
    %c0_i32_0 = arith.constant 0 : i32
    %c0_i32_1 = arith.constant 0 : i32
    return %c0_i32, %arg0, %c0_i32_0 : i32, i32, i32
  }
  func.func @transform_1(%arg0: i32) -> (i32, i32) {
    %c0_i32 = arith.constant 0 : i32
    %c0_i32_0 = arith.constant 0 : i32
    return %arg0, %c0_i32 : i32, i32
  }
  func.func @transform_2(%arg0: i32) -> (i32, i32) {
    %c0_i32 = arith.constant 0 : i32
    %c0_i32_0 = arith.constant 0 : i32
    %c0_i32_1 = arith.constant 0 : i32
    return %c0_i32, %c0_i32_0 : i32, i32
  }
  func.func @transform_3(%arg0: i32) -> (i32, i32) {
    %c0_i32 = arith.constant 0 : i32
    %c0_i32_0 = arith.constant 0 : i32
    %c0_i32_1 = arith.constant 0 : i32
    return %c0_i32, %c0_i32_0 : i32, i32
  }
  func.func @transform_4(%arg0: i32) -> (i32, i32) {
    %c0_i32 = arith.constant 0 : i32
    %c0_i32_0 = arith.constant 0 : i32
    %c0_i32_1 = arith.constant 0 : i32
    return %c0_i32, %c0_i32_0 : i32, i32
  }
  func.func @transform_5(%arg0: i32) -> (i32, i32) {
    %c0_i32 = arith.constant 0 : i32
    %c0_i32_0 = arith.constant 0 : i32
    %c0_i32_1 = arith.constant 0 : i32
    return %c0_i32, %c0_i32_0 : i32, i32
  }
  func.func @transform_6(%arg0: i32) -> (i32, i32) {
    %c0_i32 = arith.constant 0 : i32
    %c0_i32_0 = arith.constant 0 : i32
    return %arg0, %c0_i32 : i32, i32
  }
}

</mosaic_0001>

<sc_bundles>
// kernel: kernel.12.cloned.1.call-start
scs
__scs_entry_jumppad:
0x0: {  	(pc) =	sbr.rel $0x88, $3  }
0x1: {  	(tag) =	ssettag $0x0;
	lr =	simm.s32 $0x1  }
0x2: {  	[smem:$0x3F9A] =	sst lr;
	_ =	strace $0xD0000000  }
0x3: {  	_ = 	snop  }
0x4: {  	_ = 	snop  }
0x5: {  	_ = 	snop  }
0x6: {  	_ = 	snop  }
0x7: {  	_ = 	snop  }
__scs_overlays_trampoline_lowered:
0x8: {  	[smem:$0x3FA9] =	sst s0  }
0x9: {  	[smem:$0x3FAA] =	sst s1  }
0xa: {  	[smem:$0x3FAB] =	sst s2  }
0xb: {  	[smem:$0x3FAC] =	sst s3  }
0xc: {  	[smem:$0x3FAD] =	sst s4  }
0xd: {  	[smem:$0x3FAE] =	sst s5  }
0xe: {  	[smem:$0x3FAF] =	sst s6  }
0xf: {  	[smem:$0x3FB0] =	sst s7  }
0x10: {  	[smem:$0x3FB1] =	sst s8  }
0x11: {  	[smem:$0x3FB2] =	sst s9;
	s0 =	simm.s32 @!p0 $0x0  }
0x12: {  	s1 =	sld [smem:$0x3F98];
	s0 =	simm.s32 @p0 $0x1  }
0x13: {  	[smem:$0x3FB3] =	sst s0;
	s0 =	simm.s32 @!p1 $0x0  }
0x14: {  	s2 =	sld [smem:$0x3F97];
	s0 =	simm.s32 @p1 $0x1  }
0x15: {  	[smem:$0x3FB4] =	sst s0;
	s0 =	simm.s32 @!p2 $0x0  }
0x16: {  	s3 =	sld [smem:$0x3FDB];
	s0 =	simm.s32 @p2 $0x1  }
0x17: {  	s4 =	simm.s32 $0x1BF5;
	[smem:$0x3FB6] =	sst s0  }
0x18: {  	s0 =	sld [smem:$0x3F99];
	_ =	swait.ge [sflag:s4], $0x0  }
0x19: {  	s7 =	sld [smem:$0x3F9A]  }
0x1a: {  	s8 =	sadd.s32 $0xFFFFE003, lr  }
0x1b: {  	s9 =	sadd.s32 $0xFFFFFEF7, lr;
	s5 =	simm.s32 $0xFFFFFFFF;
	p2 =	slt.u32 s8, $0xFFFFF086  }
0x1c: {  	p1 =	slt.u32 s9, $0xF7A;
	s5 =	simm.s32 @!p2 $0x0  }
0x1d: {  	s5 =	simm.s32 @p1 $0x1;
	p0 =	seq.s32 s7, s2  }
0x1e: {  	s7 =	smul.u32 @!p0 $0xF7A, s2;
	p2 =	seq.s32 @!p0 s5, $0x0  }
0x1f: {  	s9 =	smul.u32 $0xF7A, s1;
	s8 =	simm.s32 @!p0 $0x1BF5;
	p2 =	por !p2, p0  }
0x20: {  	[sflag:s8] =	ssyncset.s32 @!p0 $0xFFFFF086;
	s6 =	sadd.s32 @!p0 s3, s7;
	s7 =	simm.s32 @!p0 $0x108  }
0x21: {  	s3 =	sadd.s32 s3, s9;
	s6 =	sadd.s32 @!p0 $0x88, s6;
	s7 =	simm.s32 @p2 $0x1082  }
0x22: {  	[simem:s7], [sflag:s8] =	dma.local @!p0 [hbm:s6], $0xF7A  }
0x23: {  	s9 =	sor.u32 $0xD0000000, s2;
	s6 =	simm.s32 $0x108;
	_ =	swait.ge @!p0 [sflag:s8], $0x0  }
0x24: {  	s3 =	sadd.s32 $0x88, s3;
	s6 =	simm.s32 @!p1 $0x1082;
	[sflag:s4] =	ssyncset.s32 $0xFFFFF086  }
0x25: {  	[simem:s6], [sflag:s4] =	dma.local [hbm:s3], $0xF7A  }
0x26: {  	[smem:$0x3F9A] =	sst s1;
	(tag) =	ssettag s2;
	_ =	strace s9  }
0x27: {  	s1 =	sld [smem:$0x3FAA]  }
0x28: {  	s2 =	sld [smem:$0x3FAB]  }
0x29: {  	s4 =	sld [smem:$0x3FAD]  }
0x2a: {  	p0 =	seq.s32 s5, $0x0;
	s5 =	sld [smem:$0x3FAE]  }
0x2b: {  	s6 =	sld [smem:$0x3FAF]  }
0x2c: {  	s7 =	sld [smem:$0x3FB0]  }
0x2d: {  	s3 =	simm.s32 $0x108;
	s8 =	sld [smem:$0x3FB1]  }
0x2e: {  	s3 =	simm.s32 @!p0 $0x1082;
	s9 =	sld [smem:$0x3FB2]  }
0x2f: {  	lr =	sadd.s32 s0, s3;
	s0 =	sld [smem:$0x3FA9]  }
0x30: {  	s3 =	sld [smem:$0x3FAC]  }
0x31: {  	[smem:$0x3FB5] =	sst s10  }
0x32: {  	s10 =	sld [smem:$0x3FB3];
	_ =	sdelay $0x3  }
0x33: {  	p0 =	seq.s32 s10, $0x1;
	s10 =	sld [smem:$0x3FB5];
	_ =	sdelay $0x3  }
0x34: {  	[smem:$0x3FB5] =	sst s10  }
0x35: {  	s10 =	sld [smem:$0x3FB4];
	_ =	sdelay $0x3  }
0x36: {  	p1 =	seq.s32 s10, $0x1;
	s10 =	sld [smem:$0x3FB5];
	_ =	sdelay $0x3  }
0x37: {  	[smem:$0x3FB5] =	sst s10  }
0x38: {  	s10 =	sld [smem:$0x3FB6]  }
0x39: {  	_ = 	snop;
	(pc) =	sbr.ind lr, $3  }
0x3a: {  	_ = 	snop  }
0x3b: {  	_ = 	snop  }
0x3c: {  	p2 =	seq.s32 s10, $0x1;
	s10 =	sld [smem:$0x3FB5]  }
0x3d: {  	_ =	shalt  }
0x3e: {  	_ =	shalt  }
0x3f: {  	_ =	shalt  }
0x40: {  	_ =	shalt  }
0x41: {  	_ =	shalt  }
0x42: {  	_ =	shalt  }
0x43: {  	_ =	shalt  }
0x44: {  	_ =	shalt  }
0x45: {  	_ =	shalt  }
0x46: {  	_ =	shalt  }
0x47: {  	_ =	shalt  }
0x48: {  	_ =	shalt  }
0x49: {  	_ =	shalt  }
0x4a: {  	_ =	shalt  }
0x4b: {  	_ =	shalt  }
0x4c: {  	_ =	shalt  }
0x4d: {  	_ =	shalt  }
0x4e: {  	_ =	shalt  }
0x4f: {  	_ =	shalt  }
0x50: {  	_ =	shalt  }
0x51: {  	_ =	shalt  }
0x52: {  	_ =	shalt  }
0x53: {  	_ =	shalt  }
0x54: {  	_ =	shalt  }
0x55: {  	_ =	shalt  }
0x56: {  	_ =	shalt  }
0x57: {  	_ =	shalt  }
0x58: {  	_ =	shalt  }
0x59: {  	_ =	shalt  }
0x5a: {  	_ =	shalt  }
0x5b: {  	_ =	shalt  }
0x5c: {  	_ =	shalt  }
0x5d: {  	_ =	shalt  }
0x5e: {  	_ =	shalt  }
0x5f: {  	_ =	shalt  }
0x60: {  	_ =	shalt  }
0x61: {  	_ =	shalt  }
0x62: {  	_ =	shalt  }
0x63: {  	_ =	shalt  }
0x64: {  	_ =	shalt  }
0x65: {  	_ =	shalt  }
0x66: {  	_ =	shalt  }
0x67: {  	_ =	shalt  }
0x68: {  	_ =	shalt  }
0x69: {  	_ =	shalt  }
0x6a: {  	_ =	shalt  }
0x6b: {  	_ =	shalt  }
0x6c: {  	_ =	shalt  }
0x6d: {  	_ =	shalt  }
0x6e: {  	_ =	shalt  }
0x6f: {  	_ =	shalt  }
0x70: {  	_ =	shalt  }
0x71: {  	_ =	shalt  }
0x72: {  	_ =	shalt  }
0x73: {  	_ =	shalt  }
0x74: {  	_ =	shalt  }
0x75: {  	_ =	shalt  }
0x76: {  	_ =	shalt  }
0x77: {  	_ =	shalt  }
0x78: {  	_ =	shalt  }
0x79: {  	_ =	shalt  }
0x7a: {  	_ =	shalt  }
0x7b: {  	_ =	shalt  }
0x7c: {  	_ =	shalt  }
0x7d: {  	_ =	shalt  }
0x7e: {  	_ =	shalt  }
0x7f: {  	_ =	shalt  }
0x80: {  	_ =	shalt  }
0x81: {  	_ =	shalt  }
0x82: {  	_ =	shalt  }
0x83: {  	_ =	shalt  }
0x84: {  	_ =	shalt  }
0x85: {  	_ =	shalt  }
0x86: {  	_ =	shalt  }
0x87: {  	_ =	shalt  }
.Lfunc_end0:
.L_simem_size_0:
called_computation.1_lowered:
.L_overlay_start_0:
0x88: {  	s2 =	sld [smem:$0x3FD9]  }
0x89: {  	s3 =	sld [smem:$0x3FFE];
	_ =	sdelay $0x1  }
0x8a: {  	s1 =	srdreg.scid  }
0x8b: {  	s0 =	sand.u32 $0x1, s1  }
0x8c: {  	s17 =	sshll.u32 s0, $0xA;
	s2 =	sadd.s32 s3, s2  }
0x8d: {  	s2 =	sadd.s32 s2, s17  }
0x8e: {  	[smem:$0x3FC1] =	sst s2  }
0x8f: {  	_ = 	snop  }
0x90: {  	s2 =	sld [smem:$0x3FD0];
	(tm) =	ssettm $0x1  }
0x91: {  	s18 =	sld [smem:$0x3FFB];
	_ =	sdelay $0x3  }
0x92: {  	_ =	strace s18  }
0x93: {  	s3 =	sld [smem:$0x3FFC];
	_ =	sdelay $0x3  }
0x94: {  	_ =	strace s3  }
0x95: {  	s3 =	sld [smem:$0x3FFD];
	_ =	sdelay $0x3  }
0x96: {  	_ =	strace s3  }
0x97: {  	_ =	strace $0x8FFFFFFF  }
0x98: {  	s19 =	sld [smem:$0x3FDB];
	_ =	sdelay $0x1  }
0x99: {  	s4 =	simm.s32 $_scs_section_size  }
0x9a: {  	s5 =	simm.s32 $_size__tile_overlayer_lowered;
	s6 =	simm.s32 $_tile_overlayer_lowered  }
0x9b: {  	s22 =	simm.s32 $0x1BFF;
	s21 =	sshll.u32 s6, $0x1;
	s3 =	sadd.s32 s4, s19  }
0x9c: {  	s7 =	simm.s32 $0x0;
	s20 =	sshll.u32 s5, $0x1;
	s5 =	sadd.s32 s21, s3  }
0x9d: {  	[timem:s7], [sflag:s22] =	dma.local [hbm:s5], s20  }
0x9e: {  	_ =	swait.ge [sflag:s22], s20  }
0x9f: {  	s4 =	ssub.s32 $0x0, s20;
	[sflag:s22] =	ssyncset.done $0x0  }
0xa0: {  	[sflag:s22] =	ssyncadd.s32 s4;
	_ =	sdelay $0x1  }
0xa1: {  	s23 =	simm.s32 $0x1B8B  }
0xa2: {  	_ =	swait.ge [sflag:s23], $0x1  }
0xa3: {  	[sflag:s23] =	ssyncset.done $0x0  }
0xa4: {  	s25 =	simm.s32 $0x1B8E;
	s24 =	sld [smem:$0x3FFE];
	[sflag:s23] =	ssyncadd.s32 $0xFFFFFFFF  }
0xa5: {  	s26 =	simm.s32 $execute0_lowered;
	[smem:$0x3FD2] =	sst s25  }
0xa6: {  	s5 =	sshll.u32 s26, $0x1;
	_ =	strace $0x80000049;
	[dreg:$0x1] =	wrdreg $0xFFFFFFFF  }
0xa7: {  	s28 =	simm.s32 $_size_execute0_lowered;
	s3 =	sadd.s32 s3, s5;
	[dreg:$0x0] =	wrdreg $0x0  }
0xa8: {  	s5 =	sshll.u32 s28, $0x1;
	[dreg:$0x2] =	wrdreg s3  }
0xa9: {  	[dreg:$0x3] =	wrdreg s5  }
0xaa: {  	[dreg:$0x4] =	wrdreg $0xC0  }
0xab: {  	_ =	task [dreg:s7], $0x5FFFF  }
0xac: {  	[dreg:$0x1] =	wrdreg $0xFFFFFFFF  }
0xad: {  	[dreg:$0x0] =	wrdreg $0x60  }
0xae: {  	[dreg:$0x2] =	wrdreg s2  }
0xaf: {  	[dreg:$0x3] =	wrdreg s24  }
0xb0: {  	[dreg:$0x4] =	wrdreg $0xFE000  }
0xb1: {  	[dreg:$0x5] =	wrdreg $0x9  }
0xb2: {  	_ =	task.clear_ibuf [dreg:s7], $0x6FFFF;
	_ =	strace $0x90000049  }
0xb3: {  	s29 =	simm.s32 $0x9;
	_ =	strace $0x8000004B  }
0xb4: {  	_ =	swait.ge [sflag:s29], $0x1  }
0xb5: {  	[sflag:s29] =	ssyncadd.s32 $0xFFFFFFFF  }
0xb6: {  	_ =	strace $0x9000004B  }
0xb7: {  	_ =	sfence  }
0xb8: {  	s30 =	sld [smem:$0x0];
	_ =	sdelay $0x2  }
0xb9: {  	s31 =	sshll.u32 s1, $0xD;
	s1 =	sshrl.u32 s1, $0x2  }
0xba: {  	s3 =	sand.u32 $0x4000, s31;
	s1 =	sadd.s32 s1, s30  }
0xbb: {  	s0 =	sor.u32 s3, s0;
	s1 =	sshll.u32 s1, $0x11  }
0xbc: {  	s0 =	sor.u32 s1, s0  }
0xbd: {  	s0 =	sadd.s32 $0x8F2B, s0  }
0xbe: {  	[sflag:s0] =	ssyncadd.remote.s32 $0x1  }
0xbf: {  	_ =	sfence.sel $0xFFFF  }
0xc0: {  	[dreg:$0x0] =	wrdreg $0xFFFFFFFF;
	(pc) =	sbr.abs _section_cstart, $3  }
0xc1: {  	[dreg:$0x1] =	wrdreg $0xFFFFFFFF  }
0xc2: {  	_ =	task.clear_ibuf [dreg:s7], $0x2FFFF;
	_ =	strace $0x9FFFFFFF  }
0xc3: {  	(tm) =	ssettm $0x7FFFFFFF  }
tec
execute0_lowered:
.L_overlay_start_1:
0x0: {  	(tag) =	ssettag $0x1  }
0x1: {  	s10 =	rddreg [dreg:$0x0]  }
0x2: {  	s0 =	rddreg [dreg:$0x1]  }
0x3: {  	s3 =	rddreg [dreg:$0x2];
	s4 =	simm.s32 $0x0;
	s8 =	stileid.u32  }
0x4: {  	s1 =	srdreg.scid;
	s28 =	simm.s32 $0xDE00;
	s29 =	simm.s32 $0x5  }
0x5: {  	s30 =	simm.s32 $0x3;
	s31 =	simm.s32 $0x4;
	s2 =	smul.u32 $0x9E0, s8  }
0x6: {  	[smem:$0x7FF] =	sst s4;
	s1 =	sand.u32 $0x1, s1;
	s7 =	smul.u32 $0x28000, s8  }
0x7: {  	s20 =	sadd.s32 $0x1400, s0;
	s9 =	sadd.s32 $0x28A00, s0;
	s16 =	smul.u32 $0xA000, s8  }
0x8: {  	_ =	strace $0x8000004A;
	s5 =	smul.u32 $0x14000, s1;
	s6 =	ssub.s32 $0x2, s1  }
0x9: {  	[dreg:$0x4] =	wrdreg s9;
	p0 =	seq.s32 s1, $0x0;
	s2 =	sadd.s32 s2, s0  }
0xa: {  	s13 =	sshrl.u32 s6, $0x1;
	s15 =	sshrl.u32 s7, $0x2;
	s22 =	sshrl.u32 s16, $0x3  }
0xb: {  	s23 =	sadd.s32 $0x2000, s16;
	s24 =	sadd.s32 s16, s3;
	s8 =	sadd.s32 $0x4000, s16  }
0xc: {  	s1 =	sadd.s32 $0x8000, s16;
	s7 =	simm.s32 $0x0;
	s0 =	sadd.s32 s5, s0  }
0xd: {  	s5 =	ssub.s32 s6, s13;
	s14 =	sadd.s32 $0x1EC00, s2;
	s2 =	sadd.s32 $0x14E00, s2  }
0xe: {  	s9 =	sadd.s32 s15, s3;
	s25 =	sshrl.u32 s23, $0x3;
	s13 =	smov.u32 s20  }
0xf: {  	s20 =	smov.u32 @p0 s10;
	s6 =	simm.s32 $0x2;
	[dreg:$0x5] =	wrdreg s14  }
0x10: {  	[dreg:$0x6] =	wrdreg s2;
	s0 =	sadd.s32 $0x28E00, s0;
	s17 =	smax.u32 s5, $0x1  }
0x11: {  	s18 =	sadd.s32 $0x2000, s9;
	s19 =	sadd.s32 $0x4000, s9;
	[dreg:$0x7] =	wrdreg s17  }
0x12: {  	s21 =	sadd.s32 $0x6000, s9;
	s14 =	sadd.s32 $0x8000, s9;
	[dreg:$0x8] =	wrdreg s18  }
0x13: {  	s5 =	sadd.s32 s23, s3;
	s2 =	simm.s32 $0xBE00;
	[dreg:$0x9] =	wrdreg s19  }
0x14: {  	[dreg:$0xa] =	wrdreg s21;
	s17 =	sshrl.u32 s8, $0x3;
	s21 =	sadd.s32 $0x6000, s16  }
0x15: {  	s8 =	sadd.s32 s8, s3;
	s19 =	sshrl.u32 s1, $0x3;
	s15 =	sadd.s32 s22, s0  }
0x16: {  	s16 =	sadd.s32 s25, s0;
	s1 =	sadd.s32 s1, s3;
	s22 =	sshrl.u32 s5, $0x3  }
0x17: {  	s18 =	sshrl.u32 s21, $0x3;
	s17 =	sadd.s32 s17, s0;
	s19 =	sadd.s32 s19, s0  }
0x18: {  	s26 =	sadd.s32 s21, s3;
	s21 =	sshrl.u32 s24, $0x3;
	s23 =	sshrl.u32 s8, $0x3  }
0x19: {  	s25 =	sshrl.u32 s1, $0x3;
	s1 =	simm.s32 $0x9E00;
	s18 =	sadd.s32 s18, s0  }
0x1a: {  	s24 =	sshrl.u32 s26, $0x3;
	s0 =	simm.s32 $0x80;
	s26 =	simm.s32 $0x1  }
.LBB2_1:
0x1b: {  	s5 =	rddreg [dreg:$0x5]  }
0x1c: {  	[tilespmem:s4], [sflag:$0x3] =	stream.linear.gather [hbm4b:s5+s4], $0x4F00, $0x38;
	[tilespmem:$0x19E00] =	vst v63  }
0x1d: {  	s12 =	rddreg [dreg:$0x6];
	s8 =	simm.s32 $0x4F00  }
0x1e: {  	[tilespmem:s8], [sflag:$0x4] =	stream.linear.gather [hbm4b:s12+s4], $0x4F00, $0x38;
	[tilespmem:$0x19E00] =	vst v63  }
0x1f: {  	s8 =	rddreg [dreg:$0x4]  }
0x20: {  	[tilespmem:s28], [sflag:$0x5] =	stream.linear.gather [hbm4b:s8+s4], $0x2000, $0x38;
	[tilespmem:$0x19E00] =	vst v63  }
0x21: {  	_ =	swait.ge [sflag:s29], $0x2000  }
0x22: {  	[sflag:s29] =	ssyncset.done $0x0  }
0x23: {  	[sflag:s29] =	ssyncadd.s32 $0xFFFFE000  }
0x24: {  	_ =	swait.ge [sflag:s30], $0x4F00  }
0x25: {  	[sflag:s30] =	ssyncset.done $0x0  }
0x26: {  	[sflag:s30] =	ssyncadd.s32 $0xFFFFB100  }
0x27: {  	_ =	swait.ge [sflag:s31], $0x4F00  }
0x28: {  	[sflag:s31] =	ssyncset.done $0x0  }
0x29: {  	[sflag:s31] =	ssyncadd.s32 $0xFFFFB100  }
0x2a: {  	[tilespmem:s1], [sflag:$0x1] =	stream.indirect.gather [hbm4b:s20+s0], $0x40, s4, s0, $0xb8;
	[tilespmem:$0x19E00] =	vst v63  }
0x2b: {  	_ = 	snop  }
0x2c: {  	[spmem:s9] =	stream.linear.scatter [tilespmem:s28], [sflag:$0x3], $0x2000, $0x38;
	[tilespmem:$0x19E00] =	vst v63  }
0x2d: {  	s10 =	rddreg [dreg:$0x8]  }
0x2e: {  	[spmem:s10] =	stream.linear.scatter [tilespmem:s28], [sflag:$0x3], $0x2000, $0x38;
	[tilespmem:$0x19E00] =	vst v63  }
0x2f: {  	s11 =	rddreg [dreg:$0x9]  }
0x30: {  	[spmem:s11] =	stream.linear.scatter [tilespmem:s28], [sflag:$0x3], $0x2000, $0x38;
	[tilespmem:$0x19E00] =	vst v63  }
0x31: {  	s12 =	rddreg [dreg:$0xa]  }
0x32: {  	[spmem:s12] =	stream.linear.scatter [tilespmem:s28], [sflag:$0x3], $0x2000, $0x38;
	[tilespmem:$0x19E00] =	vst v63  }
0x33: {  	_ = 	snop  }
0x34: {  	[spmem:s14] =	stream.linear.scatter [tilespmem:s28], [sflag:$0x3], $0x2000, $0x38;
	[tilespmem:$0x19E00] =	vst v63  }
0x35: {  	_ =	swait.ge [sflag:s30], $0x2000  }
0x36: {  	[sflag:s30] =	ssyncset.done $0x0  }
0x37: {  	[sflag:s30] =	ssyncadd.s32 $0xFFFFE000  }
0x38: {  	_ =	swait.ge [sflag:s30], $0x2000  }
0x39: {  	[sflag:s30] =	ssyncset.done $0x0  }
0x3a: {  	[sflag:s30] =	ssyncadd.s32 $0xFFFFE000  }
0x3b: {  	_ =	swait.ge [sflag:s30], $0x2000  }
0x3c: {  	[sflag:s30] =	ssyncset.done $0x0  }
0x3d: {  	[sflag:s30] =	ssyncadd.s32 $0xFFFFE000  }
0x3e: {  	_ =	swait.ge [sflag:s30], $0x2000  }
0x3f: {  	[sflag:s30] =	ssyncset.done $0x0  }
0x40: {  	[sflag:s30] =	ssyncadd.s32 $0xFFFFE000  }
0x41: {  	_ =	swait.ge [sflag:s30], $0x2000  }
0x42: {  	[sflag:s30] =	ssyncset.done $0x0  }
0x43: {  	[sflag:s30] =	ssyncadd.s32 $0xFFFFE000  }
0x44: {  	s8 =	simm.s32 $0x80;
	[bflag:$0x0] =	sbarrier.arrive $0xFFFF  }
0x45: {  	[tilespmem:s2], [sflag:$0x2] =	stream.indirect.gather [hbm4b:s20+s0], $0x40, s8, s0, $0xb8;
	[tilespmem:$0x19E00] =	vst v63  }
0x46: {  	_ =	swait.ge [sflag:s26], $0x2000  }
0x47: {  	[sflag:s26] =	ssyncset.done $0x0  }
0x48: {  	s10 =	simm.s32 $0x4F00;
	[sflag:s26] =	ssyncadd.s32 $0xFFFFE000  }
0x49: {  	[spmem:s3] =	stream.indirect.scatter.add.f32 [tilespmem:s1], [sflag:$0x5], $0x40, s10, s0, $0xb8;
	[tilespmem:$0x19E00] =	vst v63  }
0x4a: {  	_ =	swait.ge [sflag:s29], $0x2000  }
0x4b: {  	[sflag:s29] =	ssyncset.done $0x0  }
0x4c: {  	s11 =	simm.s32 $0x100;
	[sflag:s29] =	ssyncadd.s32 $0xFFFFE000  }
0x4d: {  	[tilespmem:s1], [sflag:$0x1] =	stream.indirect.gather [hbm4b:s20+s0], $0x40, s11, s0, $0xb8;
	[tilespmem:$0x19E00] =	vst v63  }
0x4e: {  	_ =	swait.ge [sflag:s6], $0x2000  }
0x4f: {  	[sflag:s6] =	ssyncset.done $0x0  }
0x50: {  	s12 =	simm.s32 $0x4F80;
	[sflag:s6] =	ssyncadd.s32 $0xFFFFE000  }
0x51: {  	[spmem:s3] =	stream.indirect.scatter.add.f32 [tilespmem:s2], [sflag:$0x5], $0x40, s12, s0, $0xb8;
	[tilespmem:$0x19E00] =	vst v63  }
0x52: {  	_ =	swait.ge [sflag:s29], $0x2000  }
0x53: {  	s5 =	simm.s32 $0x100;
	s8 =	simm.s32 $0x800;
	[sflag:s29] =	ssyncset.done $0x0  }
.LBB2_2:
0x54: {  	s10 =	sadd.s32 $0x80, s5  }
0x55: {  	[sflag:s29] =	ssyncadd.s32 $0xFFFFE000;
	s11 =	smov.u32 s8;
	s12 =	sadd.s32 $0x400, s8  }
0x56: {  	[tilespmem:s2], [sflag:$0x2] =	stream.indirect.gather [hbm4b:s20+s0], $0x40, s10, s0, $0xb8;
	[tilespmem:$0x19E00] =	vst v63  }
0x57: {  	p1 =	sne.s32 s8, $0x13400;
	_ =	swait.ge [sflag:s26], $0x2000  }
0x58: {  	[sflag:s26] =	ssyncset.done $0x0  }
0x59: {  	s8 =	sadd.s32 $0x4F00, s5;
	[sflag:s26] =	ssyncadd.s32 $0xFFFFE000  }
0x5a: {  	[spmem:s3] =	stream.indirect.scatter.add.f32 [tilespmem:s1], [sflag:$0x5], $0x40, s8, s0, $0xb8;
	[tilespmem:$0x19E00] =	vst v63  }
0x5b: {  	_ =	swait.ge [sflag:s29], $0x2000  }
0x5c: {  	[sflag:s29] =	ssyncset.done $0x0  }
0x5d: {  	s8 =	sadd.s32 $0x100, s5;
	[sflag:s29] =	ssyncadd.s32 $0xFFFFE000  }
0x5e: {  	[tilespmem:s1], [sflag:$0x1] =	stream.indirect.gather [hbm4b:s20+s0], $0x40, s8, s0, $0xb8;
	[tilespmem:$0x19E00] =	vst v63  }
0x5f: {  	_ =	swait.ge [sflag:s6], $0x2000  }
.Ltmp0:
0x60: {  	[sflag:s6] =	ssyncset.done $0x0;
	(pc) =	sbr.rel @p1 .LBB2_2-.Ltmp0, $4  }
0x61: {  	s5 =	sadd.s32 $0x4F80, s5;
	[sflag:s6] =	ssyncadd.s32 $0xFFFFE000  }
0x62: {  	[spmem:s3] =	stream.indirect.scatter.add.f32 [tilespmem:s2], [sflag:$0x5], $0x40, s5, s0, $0xb8;
	[tilespmem:$0x19E00] =	vst v63  }
0x63: {  	_ =	swait.ge [sflag:s29], $0x2000  }
0x64: {  	s8 =	smov.u32 s12;
	s5 =	sshra.s32 s11, $0x2;
	[sflag:s29] =	ssyncset.done $0x0  }
0x65: {  	s8 =	sadd.s32 $0x80, s5;
	[sflag:s29] =	ssyncadd.s32 $0xFFFFE000  }
0x66: {  	[tilespmem:s2], [sflag:$0x2] =	stream.indirect.gather [hbm4b:s20+s0], $0x40, s8, s0, $0xb8;
	[tilespmem:$0x19E00] =	vst v63  }
0x67: {  	_ =	swait.ge [sflag:s26], $0x2000  }
0x68: {  	[sflag:s26] =	ssyncset.done $0x0  }
0x69: {  	s10 =	sadd.s32 $0x4F00, s5;
	[sflag:s26] =	ssyncadd.s32 $0xFFFFE000  }
0x6a: {  	[spmem:s3] =	stream.indirect.scatter.add.f32 [tilespmem:s1], [sflag:$0x5], $0x40, s10, s0, $0xb8;
	[tilespmem:$0x19E00] =	vst v63  }
0x6b: {  	_ =	swait.ge [sflag:s29], $0x2000  }
0x6c: {  	[sflag:s29] =	ssyncset.done $0x0  }
0x6d: {  	s11 =	sadd.s32 $0x100, s5;
	[sflag:s29] =	ssyncadd.s32 $0xFFFFE000  }
0x6e: {  	[tilespmem:s1], [sflag:$0x1] =	stream.indirect.gather [hbm4b:s20+s0], $0x40, s11, s0, $0xb8;
	[tilespmem:$0x19E00] =	vst v63  }
0x6f: {  	_ =	swait.ge [sflag:s6], $0x2000  }
0x70: {  	[sflag:s6] =	ssyncset.done $0x0  }
0x71: {  	s12 =	sadd.s32 $0x4F80, s5;
	[sflag:s6] =	ssyncadd.s32 $0xFFFFE000  }
0x72: {  	[spmem:s3] =	stream.indirect.scatter.add.f32 [tilespmem:s2], [sflag:$0x5], $0x40, s12, s0, $0xb8;
	[tilespmem:$0x19E00] =	vst v63  }
0x73: {  	_ =	swait.ge [sflag:s29], $0x2000  }
0x74: {  	[sflag:s29] =	ssyncset.done $0x0  }
0x75: {  	s5 =	simm.s32 @p0 $0x80;
	[sflag:s29] =	ssyncadd.s32 $0xFFFFE000  }
0x76: {  	s8 =	simm.s32 @p0 $0x4E80;
	s10 =	simm.s32 @p0 $0xBE00;
	s11 =	rddreg [dreg:$0x0]  }
0x77: {  	[tilespmem:s10], [sflag:$0x2] =	stream.indirect.gather @p0 [hbm4b:s11+s5], $0x40, s8, s5, $0xb8;
	[tilespmem:$0x19E00] =	vst v63  }
0x78: {  	s5 =	simm.s32 @!p0 $0x80;
	s8 =	simm.s32 @!p0 $0x4E80;
	s10 =	simm.s32 @!p0 $0xBE00  }
0x79: {  	[tilespmem:s10], [sflag:$0x2] =	stream.indirect.gather @!p0 [hbm4b:s13+s5], $0x40, s8, s5, $0xb8;
	[tilespmem:$0x19E00] =	vst v63  }
0x7a: {  	_ =	swait.ge [sflag:s26], $0x2000  }
0x7b: {  	[sflag:s26] =	ssyncset.done $0x0  }
0x7c: {  	s8 =	simm.s32 $0x9D00;
	[sflag:s26] =	ssyncadd.s32 $0xFFFFE000  }
0x7d: {  	[spmem:s3] =	stream.indirect.scatter.add.f32 [tilespmem:s1], [sflag:$0x5], $0x40, s8, s0, $0xb8;
	[tilespmem:$0x19E00] =	vst v63  }
0x7e: {  	_ =	swait.ge [sflag:s29], $0x2000  }
0x7f: {  	[sflag:s29] =	ssyncset.done $0x0  }
0x80: {  	[sflag:s29] =	ssyncadd.s32 $0xFFFFE000  }
0x81: {  	_ =	swait.ge [sflag:s6], $0x2000  }
0x82: {  	[sflag:s6] =	ssyncset.done $0x0  }
0x83: {  	s10 =	simm.s32 $0x9D80;
	[sflag:s6] =	ssyncadd.s32 $0xFFFFE000  }
0x84: {  	[spmem:s3] =	stream.indirect.scatter.add.f32 [tilespmem:s2], [sflag:$0x5], $0x40, s10, s0, $0xb8;
	[tilespmem:$0x19E00] =	vst v63  }
0x85: {  	_ =	swait.ge [sflag:s29], $0x2000  }
0x86: {  	s11 =	stileid.u32;
	[sflag:s29] =	ssyncset.done $0x0  }
0x87: {  	s5 =	sshll.u32 s11, $0x6;
	[sflag:s29] =	ssyncadd.s32 $0xFFFFE000  }
0x88: {  	s5 =	sor.u32 $0x1C01, s5;
	[bflag:$0x0] =	sbarrier.arrive $0xFFFF  }
0x89: {  	[hbm:s15], [sflag:s5] =	dma.local [spmem:s21], $0x400  }
0x8a: {  	[hbm:s16], [sflag:s5] =	dma.local [spmem:s22], $0x400  }
0x8b: {  	[hbm:s17], [sflag:s5] =	dma.local [spmem:s23], $0x400  }
0x8c: {  	[hbm:s18], [sflag:s5] =	dma.local [spmem:s24], $0x400  }
0x8d: {  	[hbm:s19], [sflag:s5] =	dma.local [spmem:s25], $0x400  }
0x8e: {  	_ =	swait.ge [sflag:s26], $0x400  }
0x8f: {  	[sflag:s26] =	ssyncset.done $0x0  }
0x90: {  	[sflag:s26] =	ssyncadd.s32 $0xFFFFFC00  }
0x91: {  	_ =	swait.ge [sflag:s26], $0x400  }
0x92: {  	[sflag:s26] =	ssyncset.done $0x0  }
0x93: {  	[sflag:s26] =	ssyncadd.s32 $0xFFFFFC00  }
0x94: {  	_ =	swait.ge [sflag:s26], $0x400  }
0x95: {  	[sflag:s26] =	ssyncset.done $0x0  }
0x96: {  	[sflag:s26] =	ssyncadd.s32 $0xFFFFFC00  }
0x97: {  	_ =	swait.ge [sflag:s26], $0x400  }
0x98: {  	[sflag:s26] =	ssyncset.done $0x0  }
0x99: {  	[sflag:s26] =	ssyncadd.s32 $0xFFFFFC00  }
0x9a: {  	_ =	swait.ge [sflag:s26], $0x400  }
0x9b: {  	s7 =	sadd.s32 $0x1, s7;
	s12 =	rddreg [dreg:$0x7]  }
0x9c: {  	p1 =	sne.s32 s7, s12  }
.Ltmp1:
0x9d: {  	_ = 	snop;
	(pc) =	sbr.rel @p1 .LBB2_1-.Ltmp1, $3  }
0x9e: {  	_ =	sdelay $0x1  }
0x9f: {  	[sflag:s26] =	ssyncset.done $0x0  }
0xa0: {  	[sflag:s26] =	ssyncadd.s32 $0xFFFFFC00  }
0xa1: {  	_ =	sfence.sel $0x180000  }
0xa2: {  	[bflag:$0x0] =	sbarrier.arrive $0xFFFF  }
0xa3: {  	_ =	strace $0x9000004A  }
0xa4: {  	s0 =	stileid.u32;
	[bflag:$0x2] =	sbarrier.arrive $0xFFFF  }
0xa5: {  	p0 =	sne.s32 s0, $0x0;
	s0 =	rddreg [dreg:$0x3]  }
0xa6: {  	s0 =	sadd.s32 @!p0 $0x100000, s0  }
0xa7: {  	[sflag:s0] =	ssyncadd.tile.s32 @!p0 $0x1;
	_ =	shalt  }
.Lfunc_end2:
_tile_overlayer_lowered:
.L_overlay_start_2:
0xa8: {  	(tag) =	ssettag $0x2  }
0xa9: {  	s0 =	rddreg [dreg:$0x0];
	s2 =	stileid.u32  }
0xaa: {  	s1 =	rddreg [dreg:$0x1];
	p0 =	sne.s32 s2, $0x0  }
0xab: {  	s3 =	rddreg [dreg:$0x2];
	[bflag:$0x3] =	sbarrier.arrive $0xFFFF;
	s2 =	simm.s32 @!p0 $0x1C05  }
0xac: {  	[timem:s3], [sflag:s2] =	dma.local @!p0 [hbm:s0], s1  }
0xad: {  	s0 =	simm.s32 @!p0 $0x5  }
0xae: {  	_ =	swait.ge @!p0 [sflag:s0], s1  }
0xaf: {  	s1 =	ssub.s32 @!p0 $0x0, s1;
	[sflag:s0] =	ssyncset.done @!p0 $0x0  }
0xb0: {  	[sflag:s0] =	ssyncadd.s32 @!p0 s1  }
0xb1: {  	[bflag:$0x3] =	sbarrier.arrive $0xFFFF  }
0xb2: {  	_ =	shalt  }

// kernel: kernel.15.cloned.1.call-start
scs
__scs_entry_jumppad:
0x0: {  	(pc) =	sbr.rel $0x88, $3  }
0x1: {  	(tag) =	ssettag $0x0;
	lr =	simm.s32 $0x1  }
0x2: {  	[smem:$0x3F9A] =	sst lr;
	_ =	strace $0xD0000000  }
0x3: {  	_ = 	snop  }
0x4: {  	_ = 	snop  }
0x5: {  	_ = 	snop  }
0x6: {  	_ = 	snop  }
0x7: {  	_ = 	snop  }
__scs_overlays_trampoline_lowered:
0x8: {  	[smem:$0x3FA9] =	sst s0  }
0x9: {  	[smem:$0x3FAA] =	sst s1  }
0xa: {  	[smem:$0x3FAB] =	sst s2  }
0xb: {  	[smem:$0x3FAC] =	sst s3  }
0xc: {  	[smem:$0x3FAD] =	sst s4  }
0xd: {  	[smem:$0x3FAE] =	sst s5  }
0xe: {  	[smem:$0x3FAF] =	sst s6  }
0xf: {  	[smem:$0x3FB0] =	sst s7  }
0x10: {  	[smem:$0x3FB1] =	sst s8  }
0x11: {  	[smem:$0x3FB2] =	sst s9;
	s0 =	simm.s32 @!p0 $0x0  }
0x12: {  	s1 =	sld [smem:$0x3F98];
	s0 =	simm.s32 @p0 $0x1  }
0x13: {  	[smem:$0x3FB3] =	sst s0;
	s0 =	simm.s32 @!p1 $0x0  }
0x14: {  	s2 =	sld [smem:$0x3F97];
	s0 =	simm.s32 @p1 $0x1  }
0x15: {  	[smem:$0x3FB4] =	sst s0;
	s0 =	simm.s32 @!p2 $0x0  }
0x16: {  	s3 =	sld [smem:$0x3FDB];
	s0 =	simm.s32 @p2 $0x1  }
0x17: {  	s4 =	simm.s32 $0x1BF5;
	[smem:$0x3FB6] =	sst s0  }
0x18: {  	s0 =	sld [smem:$0x3F99];
	_ =	swait.ge [sflag:s4], $0x0  }
0x19: {  	s7 =	sld [smem:$0x3F9A]  }
0x1a: {  	s8 =	sadd.s32 $0xFFFFE003, lr  }
0x1b: {  	s9 =	sadd.s32 $0xFFFFFEF7, lr;
	s5 =	simm.s32 $0xFFFFFFFF;
	p2 =	slt.u32 s8, $0xFFFFF086  }
0x1c: {  	p1 =	slt.u32 s9, $0xF7A;
	s5 =	simm.s32 @!p2 $0x0  }
0x1d: {  	s5 =	simm.s32 @p1 $0x1;
	p0 =	seq.s32 s7, s2  }
0x1e: {  	s7 =	smul.u32 @!p0 $0xF7A, s2;
	p2 =	seq.s32 @!p0 s5, $0x0  }
0x1f: {  	s9 =	smul.u32 $0xF7A, s1;
	s8 =	simm.s32 @!p0 $0x1BF5;
	p2 =	por !p2, p0  }
0x20: {  	[sflag:s8] =	ssyncset.s32 @!p0 $0xFFFFF086;
	s6 =	sadd.s32 @!p0 s3, s7;
	s7 =	simm.s32 @!p0 $0x108  }
0x21: {  	s3 =	sadd.s32 s3, s9;
	s6 =	sadd.s32 @!p0 $0x88, s6;
	s7 =	simm.s32 @p2 $0x1082  }
0x22: {  	[simem:s7], [sflag:s8] =	dma.local @!p0 [hbm:s6], $0xF7A  }
0x23: {  	s9 =	sor.u32 $0xD0000000, s2;
	s6 =	simm.s32 $0x108;
	_ =	swait.ge @!p0 [sflag:s8], $0x0  }
0x24: {  	s3 =	sadd.s32 $0x88, s3;
	s6 =	simm.s32 @!p1 $0x1082;
	[sflag:s4] =	ssyncset.s32 $0xFFFFF086  }
0x25: {  	[simem:s6], [sflag:s4] =	dma.local [hbm:s3], $0xF7A  }
0x26: {  	[smem:$0x3F9A] =	sst s1;
	(tag) =	ssettag s2;
	_ =	strace s9  }
0x27: {  	s1 =	sld [smem:$0x3FAA]  }
0x28: {  	s2 =	sld [smem:$0x3FAB]  }
0x29: {  	s4 =	sld [smem:$0x3FAD]  }
0x2a: {  	p0 =	seq.s32 s5, $0x0;
	s5 =	sld [smem:$0x3FAE]  }
0x2b: {  	s6 =	sld [smem:$0x3FAF]  }
0x2c: {  	s7 =	sld [smem:$0x3FB0]  }
0x2d: {  	s3 =	simm.s32 $0x108;
	s8 =	sld [smem:$0x3FB1]  }
0x2e: {  	s3 =	simm.s32 @!p0 $0x1082;
	s9 =	sld [smem:$0x3FB2]  }
0x2f: {  	lr =	sadd.s32 s0, s3;
	s0 =	sld [smem:$0x3FA9]  }
0x30: {  	s3 =	sld [smem:$0x3FAC]  }
0x31: {  	[smem:$0x3FB5] =	sst s10  }
0x32: {  	s10 =	sld [smem:$0x3FB3];
	_ =	sdelay $0x3  }
0x33: {  	p0 =	seq.s32 s10, $0x1;
	s10 =	sld [smem:$0x3FB5];
	_ =	sdelay $0x3  }
0x34: {  	[smem:$0x3FB5] =	sst s10  }
0x35: {  	s10 =	sld [smem:$0x3FB4];
	_ =	sdelay $0x3  }
0x36: {  	p1 =	seq.s32 s10, $0x1;
	s10 =	sld [smem:$0x3FB5];
	_ =	sdelay $0x3  }
0x37: {  	[smem:$0x3FB5] =	sst s10  }
0x38: {  	s10 =	sld [smem:$0x3FB6]  }
0x39: {  	_ = 	snop;
	(pc) =	sbr.ind lr, $3  }
0x3a: {  	_ = 	snop  }
0x3b: {  	_ = 	snop  }
0x3c: {  	p2 =	seq.s32 s10, $0x1;
	s10 =	sld [smem:$0x3FB5]  }
0x3d: {  	_ =	shalt  }
0x3e: {  	_ =	shalt  }
0x3f: {  	_ =	shalt  }
0x40: {  	_ =	shalt  }
0x41: {  	_ =	shalt  }
0x42: {  	_ =	shalt  }
0x43: {  	_ =	shalt  }
0x44: {  	_ =	shalt  }
0x45: {  	_ =	shalt  }
0x46: {  	_ =	shalt  }
0x47: {  	_ =	shalt  }
0x48: {  	_ =	shalt  }
0x49: {  	_ =	shalt  }
0x4a: {  	_ =	shalt  }
0x4b: {  	_ =	shalt  }
0x4c: {  	_ =	shalt  }
0x4d: {  	_ =	shalt  }
0x4e: {  	_ =	shalt  }
0x4f: {  	_ =	shalt  }
0x50: {  	_ =	shalt  }
0x51: {  	_ =	shalt  }
0x52: {  	_ =	shalt  }
0x53: {  	_ =	shalt  }
0x54: {  	_ =	shalt  }
0x55: {  	_ =	shalt  }
0x56: {  	_ =	shalt  }
0x57: {  	_ =	shalt  }
0x58: {  	_ =	shalt  }
0x59: {  	_ =	shalt  }
0x5a: {  	_ =	shalt  }
0x5b: {  	_ =	shalt  }
0x5c: {  	_ =	shalt  }
0x5d: {  	_ =	shalt  }
0x5e: {  	_ =	shalt  }
0x5f: {  	_ =	shalt  }
0x60: {  	_ =	shalt  }
0x61: {  	_ =	shalt  }
0x62: {  	_ =	shalt  }
0x63: {  	_ =	shalt  }
0x64: {  	_ =	shalt  }
0x65: {  	_ =	shalt  }
0x66: {  	_ =	shalt  }
0x67: {  	_ =	shalt  }
0x68: {  	_ =	shalt  }
0x69: {  	_ =	shalt  }
0x6a: {  	_ =	shalt  }
0x6b: {  	_ =	shalt  }
0x6c: {  	_ =	shalt  }
0x6d: {  	_ =	shalt  }
0x6e: {  	_ =	shalt  }
0x6f: {  	_ =	shalt  }
0x70: {  	_ =	shalt  }
0x71: {  	_ =	shalt  }
0x72: {  	_ =	shalt  }
0x73: {  	_ =	shalt  }
0x74: {  	_ =	shalt  }
0x75: {  	_ =	shalt  }
0x76: {  	_ =	shalt  }
0x77: {  	_ =	shalt  }
0x78: {  	_ =	shalt  }
0x79: {  	_ =	shalt  }
0x7a: {  	_ =	shalt  }
0x7b: {  	_ =	shalt  }
0x7c: {  	_ =	shalt  }
0x7d: {  	_ =	shalt  }
0x7e: {  	_ =	shalt  }
0x7f: {  	_ =	shalt  }
0x80: {  	_ =	shalt  }
0x81: {  	_ =	shalt  }
0x82: {  	_ =	shalt  }
0x83: {  	_ =	shalt  }
0x84: {  	_ =	shalt  }
0x85: {  	_ =	shalt  }
0x86: {  	_ =	shalt  }
0x87: {  	_ =	shalt  }
.Lfunc_end0:
.L_simem_size_0:
called_computation.2_lowered:
.L_overlay_start_0:
0x88: {  	s2 =	sld [smem:$0x3FD9]  }
0x89: {  	s3 =	sld [smem:$0x3FFE];
	_ =	sdelay $0x1  }
0x8a: {  	s1 =	srdreg.scid  }
0x8b: {  	s0 =	sand.u32 $0x1, s1  }
0x8c: {  	s17 =	sshll.u32 s0, $0xA;
	s2 =	sadd.s32 s3, s2  }
0x8d: {  	s2 =	sadd.s32 s2, s17  }
0x8e: {  	[smem:$0x3FC1] =	sst s2  }
0x8f: {  	_ = 	snop  }
0x90: {  	s2 =	sld [smem:$0x3FD0];
	(tm) =	ssettm $0x1  }
0x91: {  	s18 =	sld [smem:$0x3FFB];
	_ =	sdelay $0x3  }
0x92: {  	_ =	strace s18  }
0x93: {  	s3 =	sld [smem:$0x3FFC];
	_ =	sdelay $0x3  }
0x94: {  	_ =	strace s3  }
0x95: {  	s3 =	sld [smem:$0x3FFD];
	_ =	sdelay $0x3  }
0x96: {  	_ =	strace s3  }
0x97: {  	_ =	strace $0x8FFFFFFF  }
0x98: {  	s19 =	sld [smem:$0x3FDB];
	_ =	sdelay $0x1  }
0x99: {  	s4 =	simm.s32 $_scs_section_size  }
0x9a: {  	s5 =	simm.s32 $_size__tile_overlayer_lowered;
	s6 =	simm.s32 $_tile_overlayer_lowered  }
0x9b: {  	s22 =	simm.s32 $0x1BFF;
	s21 =	sshll.u32 s6, $0x1;
	s3 =	sadd.s32 s4, s19  }
0x9c: {  	s7 =	simm.s32 $0x0;
	s20 =	sshll.u32 s5, $0x1;
	s5 =	sadd.s32 s21, s3  }
0x9d: {  	[timem:s7], [sflag:s22] =	dma.local [hbm:s5], s20  }
0x9e: {  	_ =	swait.ge [sflag:s22], s20  }
0x9f: {  	s4 =	ssub.s32 $0x0, s20;
	[sflag:s22] =	ssyncset.done $0x0  }
0xa0: {  	[sflag:s22] =	ssyncadd.s32 s4;
	_ =	sdelay $0x1  }
0xa1: {  	s23 =	simm.s32 $0x1B8B  }
0xa2: {  	_ =	swait.ge [sflag:s23], $0x1  }
0xa3: {  	[sflag:s23] =	ssyncset.done $0x0  }
0xa4: {  	s25 =	simm.s32 $0x1B8E;
	s24 =	sld [smem:$0x3FFE];
	[sflag:s23] =	ssyncadd.s32 $0xFFFFFFFF  }
0xa5: {  	s26 =	simm.s32 $execute0_lowered;
	[smem:$0x3FD2] =	sst s25  }
0xa6: {  	s5 =	sshll.u32 s26, $0x1;
	_ =	strace $0x8000004C;
	[dreg:$0x1] =	wrdreg $0xFFFFFFFF  }
0xa7: {  	s28 =	simm.s32 $_size_execute0_lowered;
	s3 =	sadd.s32 s3, s5;
	[dreg:$0x0] =	wrdreg $0x0  }
0xa8: {  	s5 =	sshll.u32 s28, $0x1;
	[dreg:$0x2] =	wrdreg s3  }
0xa9: {  	[dreg:$0x3] =	wrdreg s5  }
0xaa: {  	[dreg:$0x4] =	wrdreg $0xC0  }
0xab: {  	_ =	task [dreg:s7], $0x5FFFF  }
0xac: {  	[dreg:$0x1] =	wrdreg $0xFFFFFFFF  }
0xad: {  	[dreg:$0x0] =	wrdreg $0x60  }
0xae: {  	[dreg:$0x2] =	wrdreg s2  }
0xaf: {  	[dreg:$0x3] =	wrdreg s24  }
0xb0: {  	[dreg:$0x4] =	wrdreg $0xFE000  }
0xb1: {  	[dreg:$0x5] =	wrdreg $0x9  }
0xb2: {  	_ =	task.clear_ibuf [dreg:s7], $0x6FFFF;
	_ =	strace $0x9000004C  }
0xb3: {  	s29 =	simm.s32 $0x9;
	_ =	strace $0x8000004E  }
0xb4: {  	_ =	swait.ge [sflag:s29], $0x1  }
0xb5: {  	[sflag:s29] =	ssyncadd.s32 $0xFFFFFFFF  }
0xb6: {  	_ =	strace $0x9000004E  }
0xb7: {  	_ =	sfence  }
0xb8: {  	s30 =	sld [smem:$0x0];
	_ =	sdelay $0x2  }
0xb9: {  	s31 =	sshll.u32 s1, $0xD;
	s1 =	sshrl.u32 s1, $0x2  }
0xba: {  	s3 =	sand.u32 $0x4000, s31;
	s1 =	sadd.s32 s1, s30  }
0xbb: {  	s0 =	sor.u32 s3, s0;
	s1 =	sshll.u32 s1, $0x11  }
0xbc: {  	s0 =	sor.u32 s1, s0  }
0xbd: {  	s0 =	sadd.s32 $0x8F2B, s0  }
0xbe: {  	[sflag:s0] =	ssyncadd.remote.s32 $0x1  }
0xbf: {  	_ =	sfence.sel $0xFFFF  }
0xc0: {  	[dreg:$0x0] =	wrdreg $0xFFFFFFFF;
	(pc) =	sbr.abs _section_cstart, $3  }
0xc1: {  	[dreg:$0x1] =	wrdreg $0xFFFFFFFF  }
0xc2: {  	_ =	task.clear_ibuf [dreg:s7], $0x2FFFF;
	_ =	strace $0x9FFFFFFF  }
0xc3: {  	(tm) =	ssettm $0x7FFFFFFF  }
tec
execute0_lowered:
.L_overlay_start_1:
0x0: {  	(tag) =	ssettag $0x1  }
0x1: {  	s10 =	rddreg [dreg:$0x0]  }
0x2: {  	s0 =	rddreg [dreg:$0x1]  }
0x3: {  	s3 =	rddreg [dreg:$0x2];
	s4 =	simm.s32 $0x0;
	s8 =	stileid.u32  }
0x4: {  	s1 =	srdreg.scid;
	s28 =	simm.s32 $0xDE00;
	s29 =	simm.s32 $0x5  }
0x5: {  	s30 =	simm.s32 $0x3;
	s31 =	simm.s32 $0x4;
	s2 =	smul.u32 $0x9E0, s8  }
0x6: {  	[smem:$0x7FF] =	sst s4;
	s1 =	sand.u32 $0x1, s1;
	s7 =	smul.u32 $0x28000, s8  }
0x7: {  	s20 =	sadd.s32 $0x1400, s0;
	s9 =	sadd.s32 $0x28A00, s0;
	s16 =	smul.u32 $0xA000, s8  }
0x8: {  	_ =	strace $0x8000004D;
	s5 =	smul.u32 $0x14000, s1;
	s6 =	ssub.s32 $0x2, s1  }
0x9: {  	[dreg:$0x4] =	wrdreg s9;
	p0 =	seq.s32 s1, $0x0;
	s2 =	sadd.s32 s2, s0  }
0xa: {  	s13 =	sshrl.u32 s6, $0x1;
	s15 =	sshrl.u32 s7, $0x2;
	s22 =	sshrl.u32 s16, $0x3  }
0xb: {  	s23 =	sadd.s32 $0x2000, s16;
	s24 =	sadd.s32 s16, s3;
	s8 =	sadd.s32 $0x4000, s16  }
0xc: {  	s1 =	sadd.s32 $0x8000, s16;
	s7 =	simm.s32 $0x0;
	s0 =	sadd.s32 s5, s0  }
0xd: {  	s5 =	ssub.s32 s6, s13;
	s14 =	sadd.s32 $0x1EC00, s2;
	s2 =	sadd.s32 $0x14E00, s2  }
0xe: {  	s9 =	sadd.s32 s15, s3;
	s25 =	sshrl.u32 s23, $0x3;
	s13 =	smov.u32 s20  }
0xf: {  	s20 =	smov.u32 @p0 s10;
	s6 =	simm.s32 $0x2;
	[dreg:$0x5] =	wrdreg s14  }
0x10: {  	[dreg:$0x6] =	wrdreg s2;
	s0 =	sadd.s32 $0x28E00, s0;
	s17 =	smax.u32 s5, $0x1  }
0x11: {  	s18 =	sadd.s32 $0x2000, s9;
	s19 =	sadd.s32 $0x4000, s9;
	[dreg:$0x7] =	wrdreg s17  }
0x12: {  	s21 =	sadd.s32 $0x6000, s9;
	s14 =	sadd.s32 $0x8000, s9;
	[dreg:$0x8] =	wrdreg s18  }
0x13: {  	s5 =	sadd.s32 s23, s3;
	s2 =	simm.s32 $0xBE00;
	[dreg:$0x9] =	wrdreg s19  }
0x14: {  	[dreg:$0xa] =	wrdreg s21;
	s17 =	sshrl.u32 s8, $0x3;
	s21 =	sadd.s32 $0x6000, s16  }
0x15: {  	s8 =	sadd.s32 s8, s3;
	s19 =	sshrl.u32 s1, $0x3;
	s15 =	sadd.s32 s22, s0  }
0x16: {  	s16 =	sadd.s32 s25, s0;
	s1 =	sadd.s32 s1, s3;
	s22 =	sshrl.u32 s5, $0x3  }
0x17: {  	s18 =	sshrl.u32 s21, $0x3;
	s17 =	sadd.s32 s17, s0;
	s19 =	sadd.s32 s19, s0  }
0x18: {  	s26 =	sadd.s32 s21, s3;
	s21 =	sshrl.u32 s24, $0x3;
	s23 =	sshrl.u32 s8, $0x3  }
0x19: {  	s25 =	sshrl.u32 s1, $0x3;
	s1 =	simm.s32 $0x9E00;
	s18 =	sadd.s32 s18, s0  }
0x1a: {  	s24 =	sshrl.u32 s26, $0x3;
	s0 =	simm.s32 $0x80;
	s26 =	simm.s32 $0x1  }
.LBB2_1:
0x1b: {  	s5 =	rddreg [dreg:$0x5]  }
0x1c: {  	[tilespmem:s4], [sflag:$0x3] =	stream.linear.gather [hbm4b:s5+s4], $0x4F00, $0x38;
	[tilespmem:$0x19E00] =	vst v63  }
0x1d: {  	s12 =	rddreg [dreg:$0x6];
	s8 =	simm.s32 $0x4F00  }
0x1e: {  	[tilespmem:s8], [sflag:$0x4] =	stream.linear.gather [hbm4b:s12+s4], $0x4F00, $0x38;
	[tilespmem:$0x19E00] =	vst v63  }
0x1f: {  	s8 =	rddreg [dreg:$0x4]  }
0x20: {  	[tilespmem:s28], [sflag:$0x5] =	stream.linear.gather [hbm4b:s8+s4], $0x2000, $0x38;
	[tilespmem:$0x19E00] =	vst v63  }
0x21: {  	_ =	swait.ge [sflag:s29], $0x2000  }
0x22: {  	[sflag:s29] =	ssyncset.done $0x0  }
0x23: {  	[sflag:s29] =	ssyncadd.s32 $0xFFFFE000  }
0x24: {  	_ =	swait.ge [sflag:s30], $0x4F00  }
0x25: {  	[sflag:s30] =	ssyncset.done $0x0  }
0x26: {  	[sflag:s30] =	ssyncadd.s32 $0xFFFFB100  }
0x27: {  	_ =	swait.ge [sflag:s31], $0x4F00  }
0x28: {  	[sflag:s31] =	ssyncset.done $0x0  }
0x29: {  	[sflag:s31] =	ssyncadd.s32 $0xFFFFB100  }
0x2a: {  	[tilespmem:s1], [sflag:$0x1] =	stream.indirect.gather [hbm4b:s20+s0], $0x40, s4, s0, $0xb8;
	[tilespmem:$0x19E00] =	vst v63  }
0x2b: {  	_ = 	snop  }
0x2c: {  	[spmem:s9] =	stream.linear.scatter [tilespmem:s28], [sflag:$0x3], $0x2000, $0x38;
	[tilespmem:$0x19E00] =	vst v63  }
0x2d: {  	s10 =	rddreg [dreg:$0x8]  }
0x2e: {  	[spmem:s10] =	stream.linear.scatter [tilespmem:s28], [sflag:$0x3], $0x2000, $0x38;
	[tilespmem:$0x19E00] =	vst v63  }
0x2f: {  	s11 =	rddreg [dreg:$0x9]  }
0x30: {  	[spmem:s11] =	stream.linear.scatter [tilespmem:s28], [sflag:$0x3], $0x2000, $0x38;
	[tilespmem:$0x19E00] =	vst v63  }
0x31: {  	s12 =	rddreg [dreg:$0xa]  }
0x32: {  	[spmem:s12] =	stream.linear.scatter [tilespmem:s28], [sflag:$0x3], $0x2000, $0x38;
	[tilespmem:$0x19E00] =	vst v63  }
0x33: {  	_ = 	snop  }
0x34: {  	[spmem:s14] =	stream.linear.scatter [tilespmem:s28], [sflag:$0x3], $0x2000, $0x38;
	[tilespmem:$0x19E00] =	vst v63  }
0x35: {  	_ =	swait.ge [sflag:s30], $0x2000  }
0x36: {  	[sflag:s30] =	ssyncset.done $0x0  }
0x37: {  	[sflag:s30] =	ssyncadd.s32 $0xFFFFE000  }
0x38: {  	_ =	swait.ge [sflag:s30], $0x2000  }
0x39: {  	[sflag:s30] =	ssyncset.done $0x0  }
0x3a: {  	[sflag:s30] =	ssyncadd.s32 $0xFFFFE000  }
0x3b: {  	_ =	swait.ge [sflag:s30], $0x2000  }
0x3c: {  	[sflag:s30] =	ssyncset.done $0x0  }
0x3d: {  	[sflag:s30] =	ssyncadd.s32 $0xFFFFE000  }
0x3e: {  	_ =	swait.ge [sflag:s30], $0x2000  }
0x3f: {  	[sflag:s30] =	ssyncset.done $0x0  }
0x40: {  	[sflag:s30] =	ssyncadd.s32 $0xFFFFE000  }
0x41: {  	_ =	swait.ge [sflag:s30], $0x2000  }
0x42: {  	[sflag:s30] =	ssyncset.done $0x0  }
0x43: {  	[sflag:s30] =	ssyncadd.s32 $0xFFFFE000  }
0x44: {  	s8 =	simm.s32 $0x80;
	[bflag:$0x0] =	sbarrier.arrive $0xFFFF  }
0x45: {  	[tilespmem:s2], [sflag:$0x2] =	stream.indirect.gather [hbm4b:s20+s0], $0x40, s8, s0, $0xb8;
	[tilespmem:$0x19E00] =	vst v63  }
0x46: {  	_ =	swait.ge [sflag:s26], $0x2000  }
0x47: {  	[sflag:s26] =	ssyncset.done $0x0  }
0x48: {  	s10 =	simm.s32 $0x4F00;
	[sflag:s26] =	ssyncadd.s32 $0xFFFFE000  }
0x49: {  	[spmem:s3] =	stream.indirect.scatter.add.f32 [tilespmem:s1], [sflag:$0x5], $0x40, s10, s0, $0xb8;
	[tilespmem:$0x19E00] =	vst v63  }
0x4a: {  	_ =	swait.ge [sflag:s29], $0x2000  }
0x4b: {  	[sflag:s29] =	ssyncset.done $0x0  }
0x4c: {  	s11 =	simm.s32 $0x100;
	[sflag:s29] =	ssyncadd.s32 $0xFFFFE000  }
0x4d: {  	[tilespmem:s1], [sflag:$0x1] =	stream.indirect.gather [hbm4b:s20+s0], $0x40, s11, s0, $0xb8;
	[tilespmem:$0x19E00] =	vst v63  }
0x4e: {  	_ =	swait.ge [sflag:s6], $0x2000  }
0x4f: {  	[sflag:s6] =	ssyncset.done $0x0  }
0x50: {  	s12 =	simm.s32 $0x4F80;
	[sflag:s6] =	ssyncadd.s32 $0xFFFFE000  }
0x51: {  	[spmem:s3] =	stream.indirect.scatter.add.f32 [tilespmem:s2], [sflag:$0x5], $0x40, s12, s0, $0xb8;
	[tilespmem:$0x19E00] =	vst v63  }
0x52: {  	_ =	swait.ge [sflag:s29], $0x2000  }
0x53: {  	s5 =	simm.s32 $0x100;
	s8 =	simm.s32 $0x800;
	[sflag:s29] =	ssyncset.done $0x0  }
.LBB2_2:
0x54: {  	s10 =	sadd.s32 $0x80, s5  }
0x55: {  	[sflag:s29] =	ssyncadd.s32 $0xFFFFE000;
	s11 =	smov.u32 s8;
	s12 =	sadd.s32 $0x400, s8  }
0x56: {  	[tilespmem:s2], [sflag:$0x2] =	stream.indirect.gather [hbm4b:s20+s0], $0x40, s10, s0, $0xb8;
	[tilespmem:$0x19E00] =	vst v63  }
0x57: {  	p1 =	sne.s32 s8, $0x13400;
	_ =	swait.ge [sflag:s26], $0x2000  }
0x58: {  	[sflag:s26] =	ssyncset.done $0x0  }
0x59: {  	s8 =	sadd.s32 $0x4F00, s5;
	[sflag:s26] =	ssyncadd.s32 $0xFFFFE000  }
0x5a: {  	[spmem:s3] =	stream.indirect.scatter.add.f32 [tilespmem:s1], [sflag:$0x5], $0x40, s8, s0, $0xb8;
	[tilespmem:$0x19E00] =	vst v63  }
0x5b: {  	_ =	swait.ge [sflag:s29], $0x2000  }
0x5c: {  	[sflag:s29] =	ssyncset.done $0x0  }
0x5d: {  	s8 =	sadd.s32 $0x100, s5;
	[sflag:s29] =	ssyncadd.s32 $0xFFFFE000  }
0x5e: {  	[tilespmem:s1], [sflag:$0x1] =	stream.indirect.gather [hbm4b:s20+s0], $0x40, s8, s0, $0xb8;
	[tilespmem:$0x19E00] =	vst v63  }
0x5f: {  	_ =	swait.ge [sflag:s6], $0x2000  }
.Ltmp0:
0x60: {  	[sflag:s6] =	ssyncset.done $0x0;
	(pc) =	sbr.rel @p1 .LBB2_2-.Ltmp0, $4  }
0x61: {  	s5 =	sadd.s32 $0x4F80, s5;
	[sflag:s6] =	ssyncadd.s32 $0xFFFFE000  }
0x62: {  	[spmem:s3] =	stream.indirect.scatter.add.f32 [tilespmem:s2], [sflag:$0x5], $0x40, s5, s0, $0xb8;
	[tilespmem:$0x19E00] =	vst v63  }
0x63: {  	_ =	swait.ge [sflag:s29], $0x2000  }
0x64: {  	s8 =	smov.u32 s12;
	s5 =	sshra.s32 s11, $0x2;
	[sflag:s29] =	ssyncset.done $0x0  }
0x65: {  	s8 =	sadd.s32 $0x80, s5;
	[sflag:s29] =	ssyncadd.s32 $0xFFFFE000  }
0x66: {  	[tilespmem:s2], [sflag:$0x2] =	stream.indirect.gather [hbm4b:s20+s0], $0x40, s8, s0, $0xb8;
	[tilespmem:$0x19E00] =	vst v63  }
0x67: {  	_ =	swait.ge [sflag:s26], $0x2000  }
0x68: {  	[sflag:s26] =	ssyncset.done $0x0  }
0x69: {  	s10 =	sadd.s32 $0x4F00, s5;
	[sflag:s26] =	ssyncadd.s32 $0xFFFFE000  }
0x6a: {  	[spmem:s3] =	stream.indirect.scatter.add.f32 [tilespmem:s1], [sflag:$0x5], $0x40, s10, s0, $0xb8;
	[tilespmem:$0x19E00] =	vst v63  }
0x6b: {  	_ =	swait.ge [sflag:s29], $0x2000  }
0x6c: {  	[sflag:s29] =	ssyncset.done $0x0  }
0x6d: {  	s11 =	sadd.s32 $0x100, s5;
	[sflag:s29] =	ssyncadd.s32 $0xFFFFE000  }
0x6e: {  	[tilespmem:s1], [sflag:$0x1] =	stream.indirect.gather [hbm4b:s20+s0], $0x40, s11, s0, $0xb8;
	[tilespmem:$0x19E00] =	vst v63  }
0x6f: {  	_ =	swait.ge [sflag:s6], $0x2000  }
0x70: {  	[sflag:s6] =	ssyncset.done $0x0  }
0x71: {  	s12 =	sadd.s32 $0x4F80, s5;
	[sflag:s6] =	ssyncadd.s32 $0xFFFFE000  }
0x72: {  	[spmem:s3] =	stream.indirect.scatter.add.f32 [tilespmem:s2], [sflag:$0x5], $0x40, s12, s0, $0xb8;
	[tilespmem:$0x19E00] =	vst v63  }
0x73: {  	_ =	swait.ge [sflag:s29], $0x2000  }
0x74: {  	[sflag:s29] =	ssyncset.done $0x0  }
0x75: {  	s5 =	simm.s32 @p0 $0x80;
	[sflag:s29] =	ssyncadd.s32 $0xFFFFE000  }
0x76: {  	s8 =	simm.s32 @p0 $0x4E80;
	s10 =	simm.s32 @p0 $0xBE00;
	s11 =	rddreg [dreg:$0x0]  }
0x77: {  	[tilespmem:s10], [sflag:$0x2] =	stream.indirect.gather @p0 [hbm4b:s11+s5], $0x40, s8, s5, $0xb8;
	[tilespmem:$0x19E00] =	vst v63  }
0x78: {  	s5 =	simm.s32 @!p0 $0x80;
	s8 =	simm.s32 @!p0 $0x4E80;
	s10 =	simm.s32 @!p0 $0xBE00  }
0x79: {  	[tilespmem:s10], [sflag:$0x2] =	stream.indirect.gather @!p0 [hbm4b:s13+s5], $0x40, s8, s5, $0xb8;
	[tilespmem:$0x19E00] =	vst v63  }
0x7a: {  	_ =	swait.ge [sflag:s26], $0x2000  }
0x7b: {  	[sflag:s26] =	ssyncset.done $0x0  }
0x7c: {  	s8 =	simm.s32 $0x9D00;
	[sflag:s26] =	ssyncadd.s32 $0xFFFFE000  }
0x7d: {  	[spmem:s3] =	stream.indirect.scatter.add.f32 [tilespmem:s1], [sflag:$0x5], $0x40, s8, s0, $0xb8;
	[tilespmem:$0x19E00] =	vst v63  }
0x7e: {  	_ =	swait.ge [sflag:s29], $0x2000  }
0x7f: {  	[sflag:s29] =	ssyncset.done $0x0  }
0x80: {  	[sflag:s29] =	ssyncadd.s32 $0xFFFFE000  }
0x81: {  	_ =	swait.ge [sflag:s6], $0x2000  }
0x82: {  	[sflag:s6] =	ssyncset.done $0x0  }
0x83: {  	s10 =	simm.s32 $0x9D80;
	[sflag:s6] =	ssyncadd.s32 $0xFFFFE000  }
0x84: {  	[spmem:s3] =	stream.indirect.scatter.add.f32 [tilespmem:s2], [sflag:$0x5], $0x40, s10, s0, $0xb8;
	[tilespmem:$0x19E00] =	vst v63  }
0x85: {  	_ =	swait.ge [sflag:s29], $0x2000  }
0x86: {  	s11 =	stileid.u32;
	[sflag:s29] =	ssyncset.done $0x0  }
0x87: {  	s5 =	sshll.u32 s11, $0x6;
	[sflag:s29] =	ssyncadd.s32 $0xFFFFE000  }
0x88: {  	s5 =	sor.u32 $0x1C01, s5;
	[bflag:$0x0] =	sbarrier.arrive $0xFFFF  }
0x89: {  	[hbm:s15], [sflag:s5] =	dma.local [spmem:s21], $0x400  }
0x8a: {  	[hbm:s16], [sflag:s5] =	dma.local [spmem:s22], $0x400  }
0x8b: {  	[hbm:s17], [sflag:s5] =	dma.local [spmem:s23], $0x400  }
0x8c: {  	[hbm:s18], [sflag:s5] =	dma.local [spmem:s24], $0x400  }
0x8d: {  	[hbm:s19], [sflag:s5] =	dma.local [spmem:s25], $0x400  }
0x8e: {  	_ =	swait.ge [sflag:s26], $0x400  }
0x8f: {  	[sflag:s26] =	ssyncset.done $0x0  }
0x90: {  	[sflag:s26] =	ssyncadd.s32 $0xFFFFFC00  }
0x91: {  	_ =	swait.ge [sflag:s26], $0x400  }
0x92: {  	[sflag:s26] =	ssyncset.done $0x0  }
0x93: {  	[sflag:s26] =	ssyncadd.s32 $0xFFFFFC00  }
0x94: {  	_ =	swait.ge [sflag:s26], $0x400  }
0x95: {  	[sflag:s26] =	ssyncset.done $0x0  }
0x96: {  	[sflag:s26] =	ssyncadd.s32 $0xFFFFFC00  }
0x97: {  	_ =	swait.ge [sflag:s26], $0x400  }
0x98: {  	[sflag:s26] =	ssyncset.done $0x0  }
0x99: {  	[sflag:s26] =	ssyncadd.s32 $0xFFFFFC00  }
0x9a: {  	_ =	swait.ge [sflag:s26], $0x400  }
0x9b: {  	s7 =	sadd.s32 $0x1, s7;
	s12 =	rddreg [dreg:$0x7]  }
0x9c: {  	p1 =	sne.s32 s7, s12  }
.Ltmp1:
0x9d: {  	_ = 	snop;
	(pc) =	sbr.rel @p1 .LBB2_1-.Ltmp1, $3  }
0x9e: {  	_ =	sdelay $0x1  }
0x9f: {  	[sflag:s26] =	ssyncset.done $0x0  }
0xa0: {  	[sflag:s26] =	ssyncadd.s32 $0xFFFFFC00  }
0xa1: {  	_ =	sfence.sel $0x180000  }
0xa2: {  	[bflag:$0x0] =	sbarrier.arrive $0xFFFF  }
0xa3: {  	_ =	strace $0x9000004D  }
0xa4: {  	s0 =	stileid.u32;
	[bflag:$0x2] =	sbarrier.arrive $0xFFFF  }
0xa5: {  	p0 =	sne.s32 s0, $0x0;
	s0 =	rddreg [dreg:$0x3]  }
0xa6: {  	s0 =	sadd.s32 @!p0 $0x100000, s0  }
0xa7: {  	[sflag:s0] =	ssyncadd.tile.s32 @!p0 $0x1;
	_ =	shalt  }
.Lfunc_end2:
_tile_overlayer_lowered:
.L_overlay_start_2:
0xa8: {  	(tag) =	ssettag $0x2  }
0xa9: {  	s0 =	rddreg [dreg:$0x0];
	s2 =	stileid.u32  }
0xaa: {  	s1 =	rddreg [dreg:$0x1];
	p0 =	sne.s32 s2, $0x0  }
0xab: {  	s3 =	rddreg [dreg:$0x2];
	[bflag:$0x3] =	sbarrier.arrive $0xFFFF;
	s2 =	simm.s32 @!p0 $0x1C05  }
0xac: {  	[timem:s3], [sflag:s2] =	dma.local @!p0 [hbm:s0], s1  }
0xad: {  	s0 =	simm.s32 @!p0 $0x5  }
0xae: {  	_ =	swait.ge @!p0 [sflag:s0], s1  }
0xaf: {  	s1 =	ssub.s32 @!p0 $0x0, s1;
	[sflag:s0] =	ssyncset.done @!p0 $0x0  }
0xb0: {  	[sflag:s0] =	ssyncadd.s32 @!p0 s1  }
0xb1: {  	[bflag:$0x3] =	sbarrier.arrive $0xFFFF  }
0xb2: {  	_ =	shalt  }

// kernel: kernel.9.cloned.1.call-start
scs
__scs_entry_jumppad:
0x0: {  	(pc) =	sbr.rel $0x88, $3  }
0x1: {  	(tag) =	ssettag $0x0;
	lr =	simm.s32 $0x1  }
0x2: {  	[smem:$0x3F9A] =	sst lr;
	_ =	strace $0xD0000000  }
0x3: {  	_ = 	snop  }
0x4: {  	_ = 	snop  }
0x5: {  	_ = 	snop  }
0x6: {  	_ = 	snop  }
0x7: {  	_ = 	snop  }
__scs_overlays_trampoline_lowered:
0x8: {  	[smem:$0x3FA9] =	sst s0  }
0x9: {  	[smem:$0x3FAA] =	sst s1  }
0xa: {  	[smem:$0x3FAB] =	sst s2  }
0xb: {  	[smem:$0x3FAC] =	sst s3  }
0xc: {  	[smem:$0x3FAD] =	sst s4  }
0xd: {  	[smem:$0x3FAE] =	sst s5  }
0xe: {  	[smem:$0x3FAF] =	sst s6  }
0xf: {  	[smem:$0x3FB0] =	sst s7  }
0x10: {  	[smem:$0x3FB1] =	sst s8  }
0x11: {  	[smem:$0x3FB2] =	sst s9;
	s0 =	simm.s32 @!p0 $0x0  }
0x12: {  	s1 =	sld [smem:$0x3F98];
	s0 =	simm.s32 @p0 $0x1  }
0x13: {  	[smem:$0x3FB3] =	sst s0;
	s0 =	simm.s32 @!p1 $0x0  }
0x14: {  	s2 =	sld [smem:$0x3F97];
	s0 =	simm.s32 @p1 $0x1  }
0x15: {  	[smem:$0x3FB4] =	sst s0;
	s0 =	simm.s32 @!p2 $0x0  }
0x16: {  	s3 =	sld [smem:$0x3FDB];
	s0 =	simm.s32 @p2 $0x1  }
0x17: {  	s4 =	simm.s32 $0x1BF5;
	[smem:$0x3FB6] =	sst s0  }
0x18: {  	s0 =	sld [smem:$0x3F99];
	_ =	swait.ge [sflag:s4], $0x0  }
0x19: {  	s7 =	sld [smem:$0x3F9A]  }
0x1a: {  	s8 =	sadd.s32 $0xFFFFE003, lr  }
0x1b: {  	s9 =	sadd.s32 $0xFFFFFEF7, lr;
	s5 =	simm.s32 $0xFFFFFFFF;
	p2 =	slt.u32 s8, $0xFFFFF086  }
0x1c: {  	p1 =	slt.u32 s9, $0xF7A;
	s5 =	simm.s32 @!p2 $0x0  }
0x1d: {  	s5 =	simm.s32 @p1 $0x1;
	p0 =	seq.s32 s7, s2  }
0x1e: {  	s7 =	smul.u32 @!p0 $0xF7A, s2;
	p2 =	seq.s32 @!p0 s5, $0x0  }
0x1f: {  	s9 =	smul.u32 $0xF7A, s1;
	s8 =	simm.s32 @!p0 $0x1BF5;
	p2 =	por !p2, p0  }
0x20: {  	[sflag:s8] =	ssyncset.s32 @!p0 $0xFFFFF086;
	s6 =	sadd.s32 @!p0 s3, s7;
	s7 =	simm.s32 @!p0 $0x108  }
0x21: {  	s3 =	sadd.s32 s3, s9;
	s6 =	sadd.s32 @!p0 $0x88, s6;
	s7 =	simm.s32 @p2 $0x1082  }
0x22: {  	[simem:s7], [sflag:s8] =	dma.local @!p0 [hbm:s6], $0xF7A  }
0x23: {  	s9 =	sor.u32 $0xD0000000, s2;
	s6 =	simm.s32 $0x108;
	_ =	swait.ge @!p0 [sflag:s8], $0x0  }
0x24: {  	s3 =	sadd.s32 $0x88, s3;
	s6 =	simm.s32 @!p1 $0x1082;
	[sflag:s4] =	ssyncset.s32 $0xFFFFF086  }
0x25: {  	[simem:s6], [sflag:s4] =	dma.local [hbm:s3], $0xF7A  }
0x26: {  	[smem:$0x3F9A] =	sst s1;
	(tag) =	ssettag s2;
	_ =	strace s9  }
0x27: {  	s1 =	sld [smem:$0x3FAA]  }
0x28: {  	s2 =	sld [smem:$0x3FAB]  }
0x29: {  	s4 =	sld [smem:$0x3FAD]  }
0x2a: {  	p0 =	seq.s32 s5, $0x0;
	s5 =	sld [smem:$0x3FAE]  }
0x2b: {  	s6 =	sld [smem:$0x3FAF]  }
0x2c: {  	s7 =	sld [smem:$0x3FB0]  }
0x2d: {  	s3 =	simm.s32 $0x108;
	s8 =	sld [smem:$0x3FB1]  }
0x2e: {  	s3 =	simm.s32 @!p0 $0x1082;
	s9 =	sld [smem:$0x3FB2]  }
0x2f: {  	lr =	sadd.s32 s0, s3;
	s0 =	sld [smem:$0x3FA9]  }
0x30: {  	s3 =	sld [smem:$0x3FAC]  }
0x31: {  	[smem:$0x3FB5] =	sst s10  }
0x32: {  	s10 =	sld [smem:$0x3FB3];
	_ =	sdelay $0x3  }
0x33: {  	p0 =	seq.s32 s10, $0x1;
	s10 =	sld [smem:$0x3FB5];
	_ =	sdelay $0x3  }
0x34: {  	[smem:$0x3FB5] =	sst s10  }
0x35: {  	s10 =	sld [smem:$0x3FB4];
	_ =	sdelay $0x3  }
0x36: {  	p1 =	seq.s32 s10, $0x1;
	s10 =	sld [smem:$0x3FB5];
	_ =	sdelay $0x3  }
0x37: {  	[smem:$0x3FB5] =	sst s10  }
0x38: {  	s10 =	sld [smem:$0x3FB6]  }
0x39: {  	_ = 	snop;
	(pc) =	sbr.ind lr, $3  }
0x3a: {  	_ = 	snop  }
0x3b: {  	_ = 	snop  }
0x3c: {  	p2 =	seq.s32 s10, $0x1;
	s10 =	sld [smem:$0x3FB5]  }
0x3d: {  	_ =	shalt  }
0x3e: {  	_ =	shalt  }
0x3f: {  	_ =	shalt  }
0x40: {  	_ =	shalt  }
0x41: {  	_ =	shalt  }
0x42: {  	_ =	shalt  }
0x43: {  	_ =	shalt  }
0x44: {  	_ =	shalt  }
0x45: {  	_ =	shalt  }
0x46: {  	_ =	shalt  }
0x47: {  	_ =	shalt  }
0x48: {  	_ =	shalt  }
0x49: {  	_ =	shalt  }
0x4a: {  	_ =	shalt  }
0x4b: {  	_ =	shalt  }
0x4c: {  	_ =	shalt  }
0x4d: {  	_ =	shalt  }
0x4e: {  	_ =	shalt  }
0x4f: {  	_ =	shalt  }
0x50: {  	_ =	shalt  }
0x51: {  	_ =	shalt  }
0x52: {  	_ =	shalt  }
0x53: {  	_ =	shalt  }
0x54: {  	_ =	shalt  }
0x55: {  	_ =	shalt  }
0x56: {  	_ =	shalt  }
0x57: {  	_ =	shalt  }
0x58: {  	_ =	shalt  }
0x59: {  	_ =	shalt  }
0x5a: {  	_ =	shalt  }
0x5b: {  	_ =	shalt  }
0x5c: {  	_ =	shalt  }
0x5d: {  	_ =	shalt  }
0x5e: {  	_ =	shalt  }
0x5f: {  	_ =	shalt  }
0x60: {  	_ =	shalt  }
0x61: {  	_ =	shalt  }
0x62: {  	_ =	shalt  }
0x63: {  	_ =	shalt  }
0x64: {  	_ =	shalt  }
0x65: {  	_ =	shalt  }
0x66: {  	_ =	shalt  }
0x67: {  	_ =	shalt  }
0x68: {  	_ =	shalt  }
0x69: {  	_ =	shalt  }
0x6a: {  	_ =	shalt  }
0x6b: {  	_ =	shalt  }
0x6c: {  	_ =	shalt  }
0x6d: {  	_ =	shalt  }
0x6e: {  	_ =	shalt  }
0x6f: {  	_ =	shalt  }
0x70: {  	_ =	shalt  }
0x71: {  	_ =	shalt  }
0x72: {  	_ =	shalt  }
0x73: {  	_ =	shalt  }
0x74: {  	_ =	shalt  }
0x75: {  	_ =	shalt  }
0x76: {  	_ =	shalt  }
0x77: {  	_ =	shalt  }
0x78: {  	_ =	shalt  }
0x79: {  	_ =	shalt  }
0x7a: {  	_ =	shalt  }
0x7b: {  	_ =	shalt  }
0x7c: {  	_ =	shalt  }
0x7d: {  	_ =	shalt  }
0x7e: {  	_ =	shalt  }
0x7f: {  	_ =	shalt  }
0x80: {  	_ =	shalt  }
0x81: {  	_ =	shalt  }
0x82: {  	_ =	shalt  }
0x83: {  	_ =	shalt  }
0x84: {  	_ =	shalt  }
0x85: {  	_ =	shalt  }
0x86: {  	_ =	shalt  }
0x87: {  	_ =	shalt  }
.Lfunc_end0:
.L_simem_size_0:
called_computation_lowered:
.L_overlay_start_0:
0x88: {  	s2 =	sld [smem:$0x3FD9]  }
0x89: {  	s3 =	sld [smem:$0x3FFE];
	_ =	sdelay $0x1  }
0x8a: {  	s1 =	srdreg.scid  }
0x8b: {  	s0 =	sand.u32 $0x1, s1  }
0x8c: {  	s17 =	sshll.u32 s0, $0xA;
	s2 =	sadd.s32 s3, s2  }
0x8d: {  	s2 =	sadd.s32 s2, s17  }
0x8e: {  	[smem:$0x3FC1] =	sst s2  }
0x8f: {  	_ = 	snop  }
0x90: {  	s2 =	sld [smem:$0x3FD0];
	(tm) =	ssettm $0x1  }
0x91: {  	s18 =	sld [smem:$0x3FFB];
	_ =	sdelay $0x3  }
0x92: {  	_ =	strace s18  }
0x93: {  	s3 =	sld [smem:$0x3FFC];
	_ =	sdelay $0x3  }
0x94: {  	_ =	strace s3  }
0x95: {  	s3 =	sld [smem:$0x3FFD];
	_ =	sdelay $0x3  }
0x96: {  	_ =	strace s3  }
0x97: {  	_ =	strace $0x8FFFFFFF  }
0x98: {  	s19 =	sld [smem:$0x3FDB];
	_ =	sdelay $0x1  }
0x99: {  	s4 =	simm.s32 $_scs_section_size  }
0x9a: {  	s5 =	simm.s32 $_size__tile_overlayer_lowered;
	s6 =	simm.s32 $_tile_overlayer_lowered  }
0x9b: {  	s22 =	simm.s32 $0x1BFF;
	s21 =	sshll.u32 s6, $0x1;
	s3 =	sadd.s32 s4, s19  }
0x9c: {  	s7 =	simm.s32 $0x0;
	s20 =	sshll.u32 s5, $0x1;
	s5 =	sadd.s32 s21, s3  }
0x9d: {  	[timem:s7], [sflag:s22] =	dma.local [hbm:s5], s20  }
0x9e: {  	_ =	swait.ge [sflag:s22], s20  }
0x9f: {  	s4 =	ssub.s32 $0x0, s20;
	[sflag:s22] =	ssyncset.done $0x0  }
0xa0: {  	[sflag:s22] =	ssyncadd.s32 s4;
	_ =	sdelay $0x1  }
0xa1: {  	s23 =	simm.s32 $0x1B8B  }
0xa2: {  	_ =	swait.ge [sflag:s23], $0x1  }
0xa3: {  	[sflag:s23] =	ssyncset.done $0x0  }
0xa4: {  	s25 =	simm.s32 $0x1B8E;
	s24 =	sld [smem:$0x3FFE];
	[sflag:s23] =	ssyncadd.s32 $0xFFFFFFFF  }
0xa5: {  	s26 =	simm.s32 $execute0_lowered;
	[smem:$0x3FD2] =	sst s25  }
0xa6: {  	s5 =	sshll.u32 s26, $0x1;
	_ =	strace $0x80000046;
	[dreg:$0x1] =	wrdreg $0xFFFFFFFF  }
0xa7: {  	s28 =	simm.s32 $_size_execute0_lowered;
	s3 =	sadd.s32 s3, s5;
	[dreg:$0x0] =	wrdreg $0x0  }
0xa8: {  	s5 =	sshll.u32 s28, $0x1;
	[dreg:$0x2] =	wrdreg s3  }
0xa9: {  	[dreg:$0x3] =	wrdreg s5  }
0xaa: {  	[dreg:$0x4] =	wrdreg $0xC0  }
0xab: {  	_ =	task [dreg:s7], $0x5FFFF  }
0xac: {  	[dreg:$0x1] =	wrdreg $0xFFFFFFFF  }
0xad: {  	[dreg:$0x0] =	wrdreg $0x60  }
0xae: {  	[dreg:$0x2] =	wrdreg s2  }
0xaf: {  	[dreg:$0x3] =	wrdreg s24  }
0xb0: {  	[dreg:$0x4] =	wrdreg $0xFE000  }
0xb1: {  	[dreg:$0x5] =	wrdreg $0x9  }
0xb2: {  	_ =	task.clear_ibuf [dreg:s7], $0x6FFFF;
	_ =	strace $0x90000046  }
0xb3: {  	s29 =	simm.s32 $0x9;
	_ =	strace $0x80000048  }
0xb4: {  	_ =	swait.ge [sflag:s29], $0x1  }
0xb5: {  	[sflag:s29] =	ssyncadd.s32 $0xFFFFFFFF  }
0xb6: {  	_ =	strace $0x90000048  }
0xb7: {  	_ =	sfence  }
0xb8: {  	s30 =	sld [smem:$0x0];
	_ =	sdelay $0x2  }
0xb9: {  	s31 =	sshll.u32 s1, $0xD;
	s1 =	sshrl.u32 s1, $0x2  }
0xba: {  	s3 =	sand.u32 $0x4000, s31;
	s1 =	sadd.s32 s1, s30  }
0xbb: {  	s0 =	sor.u32 s3, s0;
	s1 =	sshll.u32 s1, $0x11  }
0xbc: {  	s0 =	sor.u32 s1, s0  }
0xbd: {  	s0 =	sadd.s32 $0x8F2B, s0  }
0xbe: {  	[sflag:s0] =	ssyncadd.remote.s32 $0x1  }
0xbf: {  	_ =	sfence.sel $0xFFFF  }
0xc0: {  	[dreg:$0x0] =	wrdreg $0xFFFFFFFF;
	(pc) =	sbr.abs _section_cstart, $3  }
0xc1: {  	[dreg:$0x1] =	wrdreg $0xFFFFFFFF  }
0xc2: {  	_ =	task.clear_ibuf [dreg:s7], $0x2FFFF;
	_ =	strace $0x9FFFFFFF  }
0xc3: {  	(tm) =	ssettm $0x7FFFFFFF  }
tec
execute0_lowered:
.L_overlay_start_1:
0x0: {  	(tag) =	ssettag $0x1  }
0x1: {  	s10 =	rddreg [dreg:$0x0]  }
0x2: {  	s0 =	rddreg [dreg:$0x1]  }
0x3: {  	s3 =	rddreg [dreg:$0x2];
	s4 =	simm.s32 $0x0;
	s8 =	stileid.u32  }
0x4: {  	s1 =	srdreg.scid;
	s28 =	simm.s32 $0xDE00;
	s29 =	simm.s32 $0x5  }
0x5: {  	s30 =	simm.s32 $0x3;
	s31 =	simm.s32 $0x4;
	s2 =	smul.u32 $0x9E0, s8  }
0x6: {  	[smem:$0x7FF] =	sst s4;
	s1 =	sand.u32 $0x1, s1;
	s7 =	smul.u32 $0x28000, s8  }
0x7: {  	s20 =	sadd.s32 $0x1400, s0;
	s9 =	sadd.s32 $0x28A00, s0;
	s16 =	smul.u32 $0xA000, s8  }
0x8: {  	_ =	strace $0x80000047;
	s5 =	smul.u32 $0x14000, s1;
	s6 =	ssub.s32 $0x2, s1  }
0x9: {  	[dreg:$0x4] =	wrdreg s9;
	p0 =	seq.s32 s1, $0x0;
	s2 =	sadd.s32 s2, s0  }
0xa: {  	s13 =	sshrl.u32 s6, $0x1;
	s15 =	sshrl.u32 s7, $0x2;
	s22 =	sshrl.u32 s16, $0x3  }
0xb: {  	s23 =	sadd.s32 $0x2000, s16;
	s24 =	sadd.s32 s16, s3;
	s8 =	sadd.s32 $0x4000, s16  }
0xc: {  	s1 =	sadd.s32 $0x8000, s16;
	s7 =	simm.s32 $0x0;
	s0 =	sadd.s32 s5, s0  }
0xd: {  	s5 =	ssub.s32 s6, s13;
	s14 =	sadd.s32 $0x1EC00, s2;
	s2 =	sadd.s32 $0x14E00, s2  }
0xe: {  	s9 =	sadd.s32 s15, s3;
	s25 =	sshrl.u32 s23, $0x3;
	s13 =	smov.u32 s20  }
0xf: {  	s20 =	smov.u32 @p0 s10;
	s6 =	simm.s32 $0x2;
	[dreg:$0x5] =	wrdreg s14  }
0x10: {  	[dreg:$0x6] =	wrdreg s2;
	s0 =	sadd.s32 $0x28E00, s0;
	s17 =	smax.u32 s5, $0x1  }
0x11: {  	s18 =	sadd.s32 $0x2000, s9;
	s19 =	sadd.s32 $0x4000, s9;
	[dreg:$0x7] =	wrdreg s17  }
0x12: {  	s21 =	sadd.s32 $0x6000, s9;
	s14 =	sadd.s32 $0x8000, s9;
	[dreg:$0x8] =	wrdreg s18  }
0x13: {  	s5 =	sadd.s32 s23, s3;
	s2 =	simm.s32 $0xBE00;
	[dreg:$0x9] =	wrdreg s19  }
0x14: {  	[dreg:$0xa] =	wrdreg s21;
	s17 =	sshrl.u32 s8, $0x3;
	s21 =	sadd.s32 $0x6000, s16  }
0x15: {  	s8 =	sadd.s32 s8, s3;
	s19 =	sshrl.u32 s1, $0x3;
	s15 =	sadd.s32 s22, s0  }
0x16: {  	s16 =	sadd.s32 s25, s0;
	s1 =	sadd.s32 s1, s3;
	s22 =	sshrl.u32 s5, $0x3  }
0x17: {  	s18 =	sshrl.u32 s21, $0x3;
	s17 =	sadd.s32 s17, s0;
	s19 =	sadd.s32 s19, s0  }
0x18: {  	s26 =	sadd.s32 s21, s3;
	s21 =	sshrl.u32 s24, $0x3;
	s23 =	sshrl.u32 s8, $0x3  }
0x19: {  	s25 =	sshrl.u32 s1, $0x3;
	s1 =	simm.s32 $0x9E00;
	s18 =	sadd.s32 s18, s0  }
0x1a: {  	s24 =	sshrl.u32 s26, $0x3;
	s0 =	simm.s32 $0x80;
	s26 =	simm.s32 $0x1  }
.LBB2_1:
0x1b: {  	s5 =	rddreg [dreg:$0x5]  }
0x1c: {  	[tilespmem:s4], [sflag:$0x3] =	stream.linear.gather [hbm4b:s5+s4], $0x4F00, $0x38;
	[tilespmem:$0x19E00] =	vst v63  }
0x1d: {  	s12 =	rddreg [dreg:$0x6];
	s8 =	simm.s32 $0x4F00  }
0x1e: {  	[tilespmem:s8], [sflag:$0x4] =	stream.linear.gather [hbm4b:s12+s4], $0x4F00, $0x38;
	[tilespmem:$0x19E00] =	vst v63  }
0x1f: {  	s8 =	rddreg [dreg:$0x4]  }
0x20: {  	[tilespmem:s28], [sflag:$0x5] =	stream.linear.gather [hbm4b:s8+s4], $0x2000, $0x38;
	[tilespmem:$0x19E00] =	vst v63  }
0x21: {  	_ =	swait.ge [sflag:s29], $0x2000  }
0x22: {  	[sflag:s29] =	ssyncset.done $0x0  }
0x23: {  	[sflag:s29] =	ssyncadd.s32 $0xFFFFE000  }
0x24: {  	_ =	swait.ge [sflag:s30], $0x4F00  }
0x25: {  	[sflag:s30] =	ssyncset.done $0x0  }
0x26: {  	[sflag:s30] =	ssyncadd.s32 $0xFFFFB100  }
0x27: {  	_ =	swait.ge [sflag:s31], $0x4F00  }
0x28: {  	[sflag:s31] =	ssyncset.done $0x0  }
0x29: {  	[sflag:s31] =	ssyncadd.s32 $0xFFFFB100  }
0x2a: {  	[tilespmem:s1], [sflag:$0x1] =	stream.indirect.gather [hbm4b:s20+s0], $0x40, s4, s0, $0xb8;
	[tilespmem:$0x19E00] =	vst v63  }
0x2b: {  	_ = 	snop  }
0x2c: {  	[spmem:s9] =	stream.linear.scatter [tilespmem:s28], [sflag:$0x3], $0x2000, $0x38;
	[tilespmem:$0x19E00] =	vst v63  }
0x2d: {  	s10 =	rddreg [dreg:$0x8]  }
0x2e: {  	[spmem:s10] =	stream.linear.scatter [tilespmem:s28], [sflag:$0x3], $0x2000, $0x38;
	[tilespmem:$0x19E00] =	vst v63  }
0x2f: {  	s11 =	rddreg [dreg:$0x9]  }
0x30: {  	[spmem:s11] =	stream.linear.scatter [tilespmem:s28], [sflag:$0x3], $0x2000, $0x38;
	[tilespmem:$0x19E00] =	vst v63  }
0x31: {  	s12 =	rddreg [dreg:$0xa]  }
0x32: {  	[spmem:s12] =	stream.linear.scatter [tilespmem:s28], [sflag:$0x3], $0x2000, $0x38;
	[tilespmem:$0x19E00] =	vst v63  }
0x33: {  	_ = 	snop  }
0x34: {  	[spmem:s14] =	stream.linear.scatter [tilespmem:s28], [sflag:$0x3], $0x2000, $0x38;
	[tilespmem:$0x19E00] =	vst v63  }
0x35: {  	_ =	swait.ge [sflag:s30], $0x2000  }
0x36: {  	[sflag:s30] =	ssyncset.done $0x0  }
0x37: {  	[sflag:s30] =	ssyncadd.s32 $0xFFFFE000  }
0x38: {  	_ =	swait.ge [sflag:s30], $0x2000  }
0x39: {  	[sflag:s30] =	ssyncset.done $0x0  }
0x3a: {  	[sflag:s30] =	ssyncadd.s32 $0xFFFFE000  }
0x3b: {  	_ =	swait.ge [sflag:s30], $0x2000  }
0x3c: {  	[sflag:s30] =	ssyncset.done $0x0  }
0x3d: {  	[sflag:s30] =	ssyncadd.s32 $0xFFFFE000  }
0x3e: {  	_ =	swait.ge [sflag:s30], $0x2000  }
0x3f: {  	[sflag:s30] =	ssyncset.done $0x0  }
0x40: {  	[sflag:s30] =	ssyncadd.s32 $0xFFFFE000  }
0x41: {  	_ =	swait.ge [sflag:s30], $0x2000  }
0x42: {  	[sflag:s30] =	ssyncset.done $0x0  }
0x43: {  	[sflag:s30] =	ssyncadd.s32 $0xFFFFE000  }
0x44: {  	s8 =	simm.s32 $0x80;
	[bflag:$0x0] =	sbarrier.arrive $0xFFFF  }
0x45: {  	[tilespmem:s2], [sflag:$0x2] =	stream.indirect.gather [hbm4b:s20+s0], $0x40, s8, s0, $0xb8;
	[tilespmem:$0x19E00] =	vst v63  }
0x46: {  	_ =	swait.ge [sflag:s26], $0x2000  }
0x47: {  	[sflag:s26] =	ssyncset.done $0x0  }
0x48: {  	s10 =	simm.s32 $0x4F00;
	[sflag:s26] =	ssyncadd.s32 $0xFFFFE000  }
0x49: {  	[spmem:s3] =	stream.indirect.scatter.add.f32 [tilespmem:s1], [sflag:$0x5], $0x40, s10, s0, $0xb8;
	[tilespmem:$0x19E00] =	vst v63  }
0x4a: {  	_ =	swait.ge [sflag:s29], $0x2000  }
0x4b: {  	[sflag:s29] =	ssyncset.done $0x0  }
0x4c: {  	s11 =	simm.s32 $0x100;
	[sflag:s29] =	ssyncadd.s32 $0xFFFFE000  }
0x4d: {  	[tilespmem:s1], [sflag:$0x1] =	stream.indirect.gather [hbm4b:s20+s0], $0x40, s11, s0, $0xb8;
	[tilespmem:$0x19E00] =	vst v63  }
0x4e: {  	_ =	swait.ge [sflag:s6], $0x2000  }
0x4f: {  	[sflag:s6] =	ssyncset.done $0x0  }
0x50: {  	s12 =	simm.s32 $0x4F80;
	[sflag:s6] =	ssyncadd.s32 $0xFFFFE000  }
0x51: {  	[spmem:s3] =	stream.indirect.scatter.add.f32 [tilespmem:s2], [sflag:$0x5], $0x40, s12, s0, $0xb8;
	[tilespmem:$0x19E00] =	vst v63  }
0x52: {  	_ =	swait.ge [sflag:s29], $0x2000  }
0x53: {  	s5 =	simm.s32 $0x100;
	s8 =	simm.s32 $0x800;
	[sflag:s29] =	ssyncset.done $0x0  }
.LBB2_2:
0x54: {  	s10 =	sadd.s32 $0x80, s5  }
0x55: {  	[sflag:s29] =	ssyncadd.s32 $0xFFFFE000;
	s11 =	smov.u32 s8;
	s12 =	sadd.s32 $0x400, s8  }
0x56: {  	[tilespmem:s2], [sflag:$0x2] =	stream.indirect.gather [hbm4b:s20+s0], $0x40, s10, s0, $0xb8;
	[tilespmem:$0x19E00] =	vst v63  }
0x57: {  	p1 =	sne.s32 s8, $0x13400;
	_ =	swait.ge [sflag:s26], $0x2000  }
0x58: {  	[sflag:s26] =	ssyncset.done $0x0  }
0x59: {  	s8 =	sadd.s32 $0x4F00, s5;
	[sflag:s26] =	ssyncadd.s32 $0xFFFFE000  }
0x5a: {  	[spmem:s3] =	stream.indirect.scatter.add.f32 [tilespmem:s1], [sflag:$0x5], $0x40, s8, s0, $0xb8;
	[tilespmem:$0x19E00] =	vst v63  }
0x5b: {  	_ =	swait.ge [sflag:s29], $0x2000  }
0x5c: {  	[sflag:s29] =	ssyncset.done $0x0  }
0x5d: {  	s8 =	sadd.s32 $0x100, s5;
	[sflag:s29] =	ssyncadd.s32 $0xFFFFE000  }
0x5e: {  	[tilespmem:s1], [sflag:$0x1] =	stream.indirect.gather [hbm4b:s20+s0], $0x40, s8, s0, $0xb8;
	[tilespmem:$0x19E00] =	vst v63  }
0x5f: {  	_ =	swait.ge [sflag:s6], $0x2000  }
.Ltmp0:
0x60: {  	[sflag:s6] =	ssyncset.done $0x0;
	(pc) =	sbr.rel @p1 .LBB2_2-.Ltmp0, $4  }
0x61: {  	s5 =	sadd.s32 $0x4F80, s5;
	[sflag:s6] =	ssyncadd.s32 $0xFFFFE000  }
0x62: {  	[spmem:s3] =	stream.indirect.scatter.add.f32 [tilespmem:s2], [sflag:$0x5], $0x40, s5, s0, $0xb8;
	[tilespmem:$0x19E00] =	vst v63  }
0x63: {  	_ =	swait.ge [sflag:s29], $0x2000  }
0x64: {  	s8 =	smov.u32 s12;
	s5 =	sshra.s32 s11, $0x2;
	[sflag:s29] =	ssyncset.done $0x0  }
0x65: {  	s8 =	sadd.s32 $0x80, s5;
	[sflag:s29] =	ssyncadd.s32 $0xFFFFE000  }
0x66: {  	[tilespmem:s2], [sflag:$0x2] =	stream.indirect.gather [hbm4b:s20+s0], $0x40, s8, s0, $0xb8;
	[tilespmem:$0x19E00] =	vst v63  }
0x67: {  	_ =	swait.ge [sflag:s26], $0x2000  }
0x68: {  	[sflag:s26] =	ssyncset.done $0x0  }
0x69: {  	s10 =	sadd.s32 $0x4F00, s5;
	[sflag:s26] =	ssyncadd.s32 $0xFFFFE000  }
0x6a: {  	[spmem:s3] =	stream.indirect.scatter.add.f32 [tilespmem:s1], [sflag:$0x5], $0x40, s10, s0, $0xb8;
	[tilespmem:$0x19E00] =	vst v63  }
0x6b: {  	_ =	swait.ge [sflag:s29], $0x2000  }
0x6c: {  	[sflag:s29] =	ssyncset.done $0x0  }
0x6d: {  	s11 =	sadd.s32 $0x100, s5;
	[sflag:s29] =	ssyncadd.s32 $0xFFFFE000  }
0x6e: {  	[tilespmem:s1], [sflag:$0x1] =	stream.indirect.gather [hbm4b:s20+s0], $0x40, s11, s0, $0xb8;
	[tilespmem:$0x19E00] =	vst v63  }
0x6f: {  	_ =	swait.ge [sflag:s6], $0x2000  }
0x70: {  	[sflag:s6] =	ssyncset.done $0x0  }
0x71: {  	s12 =	sadd.s32 $0x4F80, s5;
	[sflag:s6] =	ssyncadd.s32 $0xFFFFE000  }
0x72: {  	[spmem:s3] =	stream.indirect.scatter.add.f32 [tilespmem:s2], [sflag:$0x5], $0x40, s12, s0, $0xb8;
	[tilespmem:$0x19E00] =	vst v63  }
0x73: {  	_ =	swait.ge [sflag:s29], $0x2000  }
0x74: {  	[sflag:s29] =	ssyncset.done $0x0  }
0x75: {  	s5 =	simm.s32 @p0 $0x80;
	[sflag:s29] =	ssyncadd.s32 $0xFFFFE000  }
0x76: {  	s8 =	simm.s32 @p0 $0x4E80;
	s10 =	simm.s32 @p0 $0xBE00;
	s11 =	rddreg [dreg:$0x0]  }
0x77: {  	[tilespmem:s10], [sflag:$0x2] =	stream.indirect.gather @p0 [hbm4b:s11+s5], $0x40, s8, s5, $0xb8;
	[tilespmem:$0x19E00] =	vst v63  }
0x78: {  	s5 =	simm.s32 @!p0 $0x80;
	s8 =	simm.s32 @!p0 $0x4E80;
	s10 =	simm.s32 @!p0 $0xBE00  }
0x79: {  	[tilespmem:s10], [sflag:$0x2] =	stream.indirect.gather @!p0 [hbm4b:s13+s5], $0x40, s8, s5, $0xb8;
	[tilespmem:$0x19E00] =	vst v63  }
0x7a: {  	_ =	swait.ge [sflag:s26], $0x2000  }
0x7b: {  	[sflag:s26] =	ssyncset.done $0x0  }
0x7c: {  	s8 =	simm.s32 $0x9D00;
	[sflag:s26] =	ssyncadd.s32 $0xFFFFE000  }
0x7d: {  	[spmem:s3] =	stream.indirect.scatter.add.f32 [tilespmem:s1], [sflag:$0x5], $0x40, s8, s0, $0xb8;
	[tilespmem:$0x19E00] =	vst v63  }
0x7e: {  	_ =	swait.ge [sflag:s29], $0x2000  }
0x7f: {  	[sflag:s29] =	ssyncset.done $0x0  }
0x80: {  	[sflag:s29] =	ssyncadd.s32 $0xFFFFE000  }
0x81: {  	_ =	swait.ge [sflag:s6], $0x2000  }
0x82: {  	[sflag:s6] =	ssyncset.done $0x0  }
0x83: {  	s10 =	simm.s32 $0x9D80;
	[sflag:s6] =	ssyncadd.s32 $0xFFFFE000  }
0x84: {  	[spmem:s3] =	stream.indirect.scatter.add.f32 [tilespmem:s2], [sflag:$0x5], $0x40, s10, s0, $0xb8;
	[tilespmem:$0x19E00] =	vst v63  }
0x85: {  	_ =	swait.ge [sflag:s29], $0x2000  }
0x86: {  	s11 =	stileid.u32;
	[sflag:s29] =	ssyncset.done $0x0  }
0x87: {  	s5 =	sshll.u32 s11, $0x6;
	[sflag:s29] =	ssyncadd.s32 $0xFFFFE000  }
0x88: {  	s5 =	sor.u32 $0x1C01, s5;
	[bflag:$0x0] =	sbarrier.arrive $0xFFFF  }
0x89: {  	[hbm:s15], [sflag:s5] =	dma.local [spmem:s21], $0x400  }
0x8a: {  	[hbm:s16], [sflag:s5] =	dma.local [spmem:s22], $0x400  }
0x8b: {  	[hbm:s17], [sflag:s5] =	dma.local [spmem:s23], $0x400  }
0x8c: {  	[hbm:s18], [sflag:s5] =	dma.local [spmem:s24], $0x400  }
0x8d: {  	[hbm:s19], [sflag:s5] =	dma.local [spmem:s25], $0x400  }
0x8e: {  	_ =	swait.ge [sflag:s26], $0x400  }
0x8f: {  	[sflag:s26] =	ssyncset.done $0x0  }
0x90: {  	[sflag:s26] =	ssyncadd.s32 $0xFFFFFC00  }
0x91: {  	_ =	swait.ge [sflag:s26], $0x400  }
0x92: {  	[sflag:s26] =	ssyncset.done $0x0  }
0x93: {  	[sflag:s26] =	ssyncadd.s32 $0xFFFFFC00  }
0x94: {  	_ =	swait.ge [sflag:s26], $0x400  }
0x95: {  	[sflag:s26] =	ssyncset.done $0x0  }
0x96: {  	[sflag:s26] =	ssyncadd.s32 $0xFFFFFC00  }
0x97: {  	_ =	swait.ge [sflag:s26], $0x400  }
0x98: {  	[sflag:s26] =	ssyncset.done $0x0  }
0x99: {  	[sflag:s26] =	ssyncadd.s32 $0xFFFFFC00  }
0x9a: {  	_ =	swait.ge [sflag:s26], $0x400  }
0x9b: {  	s7 =	sadd.s32 $0x1, s7;
	s12 =	rddreg [dreg:$0x7]  }
0x9c: {  	p1 =	sne.s32 s7, s12  }
.Ltmp1:
0x9d: {  	_ = 	snop;
	(pc) =	sbr.rel @p1 .LBB2_1-.Ltmp1, $3  }
0x9e: {  	_ =	sdelay $0x1  }
0x9f: {  	[sflag:s26] =	ssyncset.done $0x0  }
0xa0: {  	[sflag:s26] =	ssyncadd.s32 $0xFFFFFC00  }
0xa1: {  	_ =	sfence.sel $0x180000  }
0xa2: {  	[bflag:$0x0] =	sbarrier.arrive $0xFFFF  }
0xa3: {  	_ =	strace $0x90000047  }
0xa4: {  	s0 =	stileid.u32;
	[bflag:$0x2] =	sbarrier.arrive $0xFFFF  }
0xa5: {  	p0 =	sne.s32 s0, $0x0;
	s0 =	rddreg [dreg:$0x3]  }
0xa6: {  	s0 =	sadd.s32 @!p0 $0x100000, s0  }
0xa7: {  	[sflag:s0] =	ssyncadd.tile.s32 @!p0 $0x1;
	_ =	shalt  }
.Lfunc_end2:
_tile_overlayer_lowered:
.L_overlay_start_2:
0xa8: {  	(tag) =	ssettag $0x2  }
0xa9: {  	s0 =	rddreg [dreg:$0x0];
	s2 =	stileid.u32  }
0xaa: {  	s1 =	rddreg [dreg:$0x1];
	p0 =	sne.s32 s2, $0x0  }
0xab: {  	s3 =	rddreg [dreg:$0x2];
	[bflag:$0x3] =	sbarrier.arrive $0xFFFF;
	s2 =	simm.s32 @!p0 $0x1C05  }
0xac: {  	[timem:s3], [sflag:s2] =	dma.local @!p0 [hbm:s0], s1  }
0xad: {  	s0 =	simm.s32 @!p0 $0x5  }
0xae: {  	_ =	swait.ge @!p0 [sflag:s0], s1  }
0xaf: {  	s1 =	ssub.s32 @!p0 $0x0, s1;
	[sflag:s0] =	ssyncset.done @!p0 $0x0  }
0xb0: {  	[sflag:s0] =	ssyncadd.s32 @!p0 s1  }
0xb1: {  	[bflag:$0x3] =	sbarrier.arrive $0xFFFF  }
0xb2: {  	_ =	shalt  }

</sc_bundles>
